<compile_context>
chip_gen: v7x
topology: tpu7x:2x2x1
jax: 0.10.2.dev20260603
libtpu: 0.0.44.dev20260713+nightly
codegen_flags: <defaults>
</compile_context>

<pallas_src>
import functools

import jax
import jax.numpy as jnp
from jax import lax
from jax.experimental import pallas as pl
from jax.experimental.pallas import tpu as pltpu
from jax.experimental.pallas import tpu_sc as plsc

E = 160000
N = 10000
P = 50
PP = 128
NPAD = 10240
BLK = 128
NTILES = 32
EBLKS = 39
ETAIL = EBLKS * BLK * NTILES
OPAD = NTILES * 3 * BLK


def _sc_scatter_body(emsg, eidx, omsg, oidx, zeros, out,
                     msgb, idxb, acc, sem0, sem1):
    c = lax.axis_index("c")
    s = lax.axis_index("s")
    wid = c * 16 + s

    pltpu.sync_copy(zeros, acc.at[pl.ds(s * 640, 640)])
    plsc.subcore_barrier()

    sems = (sem0, sem1)

    def start(b, midx_hbm, mmsg_hbm, base):
        pltpu.async_copy(midx_hbm.at[pl.ds(base, BLK)], idxb.at[b], sems[b])
        pltpu.async_copy(mmsg_hbm.at[pl.ds(base, BLK)], msgb.at[b], sems[b])

    def wait_scat(b):
        pltpu.make_async_copy(eidx.at[pl.ds(0, BLK)], idxb.at[b],
                              sems[b]).wait()
        pltpu.make_async_copy(emsg.at[pl.ds(0, BLK)], msgb.at[b],
                              sems[b]).wait()
        pltpu.sync_copy(msgb.at[b], acc.at[idxb.at[b]], add=True)

    ebase = wid * (EBLKS * BLK)

    start(0, eidx, emsg, ebase)

    def eloop(k, carry):
        start(1, eidx, emsg, ebase + (2 * k + 1) * BLK)
        wait_scat(0)
        start(0, eidx, emsg, ebase + (2 * k + 2) * BLK)
        wait_scat(1)
        return carry

    lax.fori_loop(0, (EBLKS - 1) // 2, eloop, 0)
    wait_scat(0)

    @pl.when(wid == 0)
    def _():
        start(0, eidx, emsg, ETAIL)
        wait_scat(0)

    @pl.when(wid == 1)
    def _():
        start(0, eidx, emsg, ETAIL + BLK)
        wait_scat(0)

    obase = wid * (3 * BLK)
    start(0, oidx, omsg, obase)
    start(1, oidx, omsg, obase + BLK)
    wait_scat(0)
    start(0, oidx, omsg, obase + 2 * BLK)
    wait_scat(1)
    wait_scat(0)

    plsc.subcore_barrier()

    pltpu.sync_copy(acc.at[pl.ds(s * 640, 640)],
                    out.at[c, pl.ds(s * 640, 640)])


_sc_scatter = functools.partial(
    pl.kernel,
    out_type=jax.ShapeDtypeStruct((2, NPAD, PP), jnp.float32),
    mesh=plsc.VectorSubcoreMesh(core_axis_name="c", subcore_axis_name="s"),
    compiler_params=pltpu.CompilerParams(use_tc_tiling_on_sc=False),
    scratch_types=[
        pltpu.VMEM((2, BLK, PP), jnp.float32),
        pltpu.VMEM((2, BLK), jnp.int32),
        pltpu.VMEM_SHARED((NPAD, PP), jnp.float32),
        pltpu.SemaphoreType.DMA,
        pltpu.SemaphoreType.DMA,
    ],
)(_sc_scatter_body)


def _norm_body(p_ref, o_ref):
    x = p_ref[0, :, :P] + p_ref[1, :, :P]
    m = jnp.max(x, axis=-1, keepdims=True)
    e = jnp.exp(x - m)
    lse = jnp.log(jnp.sum(e, axis=-1, keepdims=True)) + m
    o_ref[...] = x - lse


def _normalize(part):
    return pl.pallas_call(
        _norm_body,
        out_shape=jax.ShapeDtypeStruct((NPAD, P), jnp.float32),
    )(part)


def kernel(m_w_j2i, m_w_o2i, e_idx, o_idx):
    emsg = jnp.pad(m_w_j2i.reshape(E, P), ((0, 0), (0, PP - P)))
    npad = OPAD - (N - 1)
    oidx_p = jnp.concatenate(
        [o_idx, jnp.arange(npad, dtype=jnp.int32) % N])
    omsg_p = jnp.pad(m_w_o2i.reshape(N - 1, P),
                     ((0, npad), (0, PP - P)))
    zeros = jnp.zeros((640, PP), jnp.float32)
    part = _sc_scatter(emsg, e_idx, omsg_p, oidx_p, zeros)
    out = _normalize(part)
    return out[:N].reshape(1, N, P, 1)

# --- scband reference (transcript-rebuilt; emitter-appended) ---
"""Pipeline reference for scband-pgnn-layer-base-4612794876384 (READ-ONLY COPY).

The authoritative reference and input builder live on the scoring server;
editing this copy changes nothing except your own understanding.
"""

import jax, jax.numpy as jnp
import numpy as np

B = 1
N_NODES = 10000
N_EDGES = 160000
P = 50  # particle_num


def setup_inputs(seed: int = 0) -> dict:
    key = jax.random.key(seed)
    k1, k2, k3, k4 = jax.random.split(key, 4)
    m_w_j2i = jax.random.normal(k1, (B, N_EDGES, P, 1), dtype=jnp.float32)
    m_w_o2i = jax.random.normal(k2, (B, N_NODES - 1, P, 1), dtype=jnp.float32)
    e_idx = jax.random.randint(k3, (N_EDGES,), 0, N_NODES, dtype=jnp.int32)
    o_idx = jax.random.randint(k4, (N_NODES - 1,), 0, N_NODES, dtype=jnp.int32)
    return {"m_w_j2i": m_w_j2i, "m_w_o2i": m_w_o2i, "e_idx": e_idx, "o_idx": o_idx}


def _logsumexp(x, axis, keepdims=True):
    m = jax.lax.stop_gradient(jnp.max(x, axis=axis, keepdims=True))
    out = jnp.log(jnp.sum(jnp.exp(x - m), axis=axis, keepdims=True)) + m
    if not keepdims:
        out = jnp.squeeze(out, axis=axis)
    return out


def reference(m_w_j2i, m_w_o2i, e_idx, o_idx):
    # _aggregate_belief: h_w = scatter(m_w_j2i, e_idx, dim=1, reduce='sum')
    msgs = jnp.moveaxis(m_w_j2i, 1, 0)  # [E, B, P, 1]
    h_w = jax.ops.segment_sum(msgs, e_idx, num_segments=N_NODES)  # [K, B, P, 1]
    h_w = jnp.moveaxis(h_w, 0, 1)  # [B, K, P, 1]
    # h_w.index_add_(dim=1, index=o_idx, source=m_w_o2i)
    h_w = h_w.at[:, o_idx].add(m_w_o2i)
    # normalize belief in log-space over particle axis
    h_w_n = h_w - _logsumexp(h_w, axis=2, keepdims=True)
    return h_w_n

if __name__ == "__main__":
    import jax
    _d = setup_inputs()
    print(jax.jit(kernel)(*tuple(_d.values())))

</pallas_src>

<mosaic_0001>
#map = affine_map<(d0, d1) -> (0, 0)>
#map1 = affine_map<(d0, d1) -> (0)>
#map2 = affine_map<(d0, d1) -> (0, 0, 0)>
module attributes {stable_mosaic.version = 14 : i64} {
  func.func @_sc_scatter_body(%arg0: i32, %arg1: i32, %arg2: memref<160000x128xf32, #tpu.memory_space<hbm>>, %arg3: memref<160000xi32, #tpu.memory_space<hbm>>, %arg4: memref<12288x128xf32, #tpu.memory_space<hbm>>, %arg5: memref<12288xi32, #tpu.memory_space<hbm>>, %arg6: memref<640x128xf32, #tpu.memory_space<hbm>>, %arg7: memref<2x10240x128xf32, #tpu.memory_space<hbm>>, %arg8: memref<2x128x128xf32, #tpu.memory_space<vmem>>, %arg9: memref<2x128xi32, #tpu.memory_space<vmem>>, %arg10: memref<10240x128xf32, #tpu.memory_space<vmem_shared>>, %arg11: memref<!tpu.dma_semaphore, #tpu.memory_space<semaphore_mem>>, %arg12: memref<!tpu.dma_semaphore, #tpu.memory_space<semaphore_mem>>) attributes {dimension_semantics = [#tpu.dimension_semantics<core_parallel>, #tpu.dimension_semantics<subcore_parallel>], iteration_bounds = array<i64: 2, 16>, scalar_prefetch = 0 : i64, scratch_operands = 5 : i64, tpu.core_type = #tpu.core_type<sc_vector_subcore>, window_params = [{transform_indices = #map}, {transform_indices = #map1}, {transform_indices = #map}, {transform_indices = #map1}, {transform_indices = #map}, {transform_indices = #map2}]} {
    %mul3A = arith.constant 16 : i32
    %mul3A_0 = arith.muli %arg0, %mul3A : i32
    %add3A = arith.addi %mul3A_0, %arg1 : i32
    %mul3A_1 = arith.constant 640 : i32
    %mul3A_2 = arith.muli %arg1, %mul3A_1 : i32
    "tpu.region"() ({
      %run_scoped3A_225 = tpu.sem_alloc : memref<!tpu.dma_semaphore, #tpu.memory_space<semaphore_mem>>
      %dma_start3A_226 = arith.constant 0 : i32
      %dma_start3A_227 = tpu.memref_slice %arg10[%mul3A_2, %dma_start3A_226] : memref<10240x128xf32, #tpu.memory_space<vmem_shared>> -> memref<640x128xf32, #tpu.memory_space<vmem_shared>>
      tpu.enqueue_dma source(%arg6 : memref<640x128xf32, #tpu.memory_space<hbm>>) target(%dma_start3A_227 : memref<640x128xf32, #tpu.memory_space<vmem_shared>>) target_semaphore(%run_scoped3A_225 : memref<!tpu.dma_semaphore, #tpu.memory_space<semaphore_mem>>)
      %dma_wait3A_228 = arith.constant 0 : i32
      %dma_wait3A_229 = tpu.memref_slice %arg10[%mul3A_2, %dma_wait3A_228] : memref<10240x128xf32, #tpu.memory_space<vmem_shared>> -> memref<640x128xf32, #tpu.memory_space<vmem_shared>>
      tpu.wait_dma2 semaphore(%run_scoped3A_225 : memref<!tpu.dma_semaphore, #tpu.memory_space<semaphore_mem>>) src(%arg6 : memref<640x128xf32, #tpu.memory_space<hbm>>) dst(%dma_wait3A_229 : memref<640x128xf32, #tpu.memory_space<vmem_shared>>)
      tpu.yield
    }) : () -> ()
    %barrier3A = arith.constant 0 : index
    tpu.barrier barrier_id(%barrier3A)
    %mul3A_3 = arith.constant 4992 : i32
    %mul3A_4 = arith.muli %add3A, %mul3A_3 : i32
    %dma_start3A = arith.constant 0 : i32
    %dma_start3A_5 = arith.constant 0 : i32
    %dma_start3A_6 = tpu.memref_slice %arg9[%dma_start3A, %dma_start3A_5] : memref<2x128xi32, #tpu.memory_space<vmem>> -> memref<1x128xi32, #tpu.memory_space<vmem>>
    %dma_start3A_7 = tpu.memref_squeeze %dma_start3A_6 : memref<1x128xi32, #tpu.memory_space<vmem>> -> memref<128xi32, #tpu.memory_space<vmem>>
    %dma_start3A_8 = tpu.memref_slice %arg3[%mul3A_4] : memref<160000xi32, #tpu.memory_space<hbm>> -> memref<128xi32, #tpu.memory_space<hbm>>
    %dma_start3A_9 = arith.constant 0 : i32
    %dma_start3A_10 = tpu.memref_slice %arg9[%dma_start3A, %dma_start3A_9] : memref<2x128xi32, #tpu.memory_space<vmem>> -> memref<1x128xi32, #tpu.memory_space<vmem>>
    %dma_start3A_11 = tpu.memref_squeeze %dma_start3A_10 : memref<1x128xi32, #tpu.memory_space<vmem>> -> memref<128xi32, #tpu.memory_space<vmem>>
    %dma_start3A_12 = tpu.memref_slice %arg3[%mul3A_4] : memref<160000xi32, #tpu.memory_space<hbm>> -> memref<128xi32, #tpu.memory_space<hbm>>
    tpu.enqueue_dma source(%dma_start3A_12 : memref<128xi32, #tpu.memory_space<hbm>>) target(%dma_start3A_11 : memref<128xi32, #tpu.memory_space<vmem>>) target_semaphore(%arg11 : memref<!tpu.dma_semaphore, #tpu.memory_space<semaphore_mem>>)
    %dma_start3A_13 = arith.constant 0 : i32
    %dma_start3A_14 = arith.constant 0 : i32
    %dma_start3A_15 = arith.constant 0 : i32
    %dma_start3A_16 = tpu.memref_slice %arg8[%dma_start3A_13, %dma_start3A_14, %dma_start3A_15] : memref<2x128x128xf32, #tpu.memory_space<vmem>> -> memref<1x128x128xf32, #tpu.memory_space<vmem>>
    %dma_start3A_17 = tpu.memref_squeeze %dma_start3A_16 : memref<1x128x128xf32, #tpu.memory_space<vmem>> -> memref<128x128xf32, #tpu.memory_space<vmem>>
    %dma_start3A_18 = arith.constant 0 : i32
    %dma_start3A_19 = tpu.memref_slice %arg2[%mul3A_4, %dma_start3A_18] : memref<160000x128xf32, #tpu.memory_space<hbm>> -> memref<128x128xf32, #tpu.memory_space<hbm>>
    %dma_start3A_20 = arith.constant 0 : i32
    %dma_start3A_21 = arith.constant 0 : i32
    %dma_start3A_22 = tpu.memref_slice %arg8[%dma_start3A_13, %dma_start3A_20, %dma_start3A_21] : memref<2x128x128xf32, #tpu.memory_space<vmem>> -> memref<1x128x128xf32, #tpu.memory_space<vmem>>
    %dma_start3A_23 = tpu.memref_squeeze %dma_start3A_22 : memref<1x128x128xf32, #tpu.memory_space<vmem>> -> memref<128x128xf32, #tpu.memory_space<vmem>>
    %dma_start3A_24 = arith.constant 0 : i32
    %dma_start3A_25 = tpu.memref_slice %arg2[%mul3A_4, %dma_start3A_24] : memref<160000x128xf32, #tpu.memory_space<hbm>> -> memref<128x128xf32, #tpu.memory_space<hbm>>
    tpu.enqueue_dma source(%dma_start3A_25 : memref<128x128xf32, #tpu.memory_space<hbm>>) target(%dma_start3A_23 : memref<128x128xf32, #tpu.memory_space<vmem>>) target_semaphore(%arg11 : memref<!tpu.dma_semaphore, #tpu.memory_space<semaphore_mem>>)
    %scan3A = arith.constant 0 : i32
    %scan3A_26 = arith.constant 0 : i32
    %scan3A_27 = arith.constant 19 : i32
    %scan3A_28 = arith.addi %scan3A_26, %scan3A_27 : i32
    %scan3A_29 = arith.constant 1 : i32
    scf.for %scan3A_225 = %scan3A_26 to %scan3A_28 step %scan3A_29  : i32 {
      %mul3A_226 = arith.constant 2 : i32
      %mul3A_227 = arith.muli %mul3A_226, %scan3A_225 : i32
      %add3A_228 = arith.constant 1 : i32
      %add3A_229 = arith.addi %mul3A_227, %add3A_228 : i32
      %mul3A_230 = arith.constant 128 : i32
      %mul3A_231 = arith.muli %add3A_229, %mul3A_230 : i32
      %add3A_232 = arith.addi %mul3A_4, %mul3A_231 : i32
      %dma_start3A_233 = arith.constant 1 : i32
      %dma_start3A_234 = arith.constant 0 : i32
      %dma_start3A_235 = tpu.memref_slice %arg9[%dma_start3A_233, %dma_start3A_234] : memref<2x128xi32, #tpu.memory_space<vmem>> -> memref<1x128xi32, #tpu.memory_space<vmem>>
      %dma_start3A_236 = tpu.memref_squeeze %dma_start3A_235 : memref<1x128xi32, #tpu.memory_space<vmem>> -> memref<128xi32, #tpu.memory_space<vmem>>
      %dma_start3A_237 = tpu.memref_slice %arg3[%add3A_232] : memref<160000xi32, #tpu.memory_space<hbm>> -> memref<128xi32, #tpu.memory_space<hbm>>
      %dma_start3A_238 = arith.constant 0 : i32
      %dma_start3A_239 = tpu.memref_slice %arg9[%dma_start3A_233, %dma_start3A_238] : memref<2x128xi32, #tpu.memory_space<vmem>> -> memref<1x128xi32, #tpu.memory_space<vmem>>
      %dma_start3A_240 = tpu.memref_squeeze %dma_start3A_239 : memref<1x128xi32, #tpu.memory_space<vmem>> -> memref<128xi32, #tpu.memory_space<vmem>>
      %dma_start3A_241 = tpu.memref_slice %arg3[%add3A_232] : memref<160000xi32, #tpu.memory_space<hbm>> -> memref<128xi32, #tpu.memory_space<hbm>>
      tpu.enqueue_dma source(%dma_start3A_241 : memref<128xi32, #tpu.memory_space<hbm>>) target(%dma_start3A_240 : memref<128xi32, #tpu.memory_space<vmem>>) target_semaphore(%arg12 : memref<!tpu.dma_semaphore, #tpu.memory_space<semaphore_mem>>)
      %dma_start3A_242 = arith.constant 1 : i32
      %dma_start3A_243 = arith.constant 0 : i32
      %dma_start3A_244 = arith.constant 0 : i32
      %dma_start3A_245 = tpu.memref_slice %arg8[%dma_start3A_242, %dma_start3A_243, %dma_start3A_244] : memref<2x128x128xf32, #tpu.memory_space<vmem>> -> memref<1x128x128xf32, #tpu.memory_space<vmem>>
      %dma_start3A_246 = tpu.memref_squeeze %dma_start3A_245 : memref<1x128x128xf32, #tpu.memory_space<vmem>> -> memref<128x128xf32, #tpu.memory_space<vmem>>
      %dma_start3A_247 = arith.constant 0 : i32
      %dma_start3A_248 = tpu.memref_slice %arg2[%add3A_232, %dma_start3A_247] : memref<160000x128xf32, #tpu.memory_space<hbm>> -> memref<128x128xf32, #tpu.memory_space<hbm>>
      %dma_start3A_249 = arith.constant 0 : i32
      %dma_start3A_250 = arith.constant 0 : i32
      %dma_start3A_251 = tpu.memref_slice %arg8[%dma_start3A_242, %dma_start3A_249, %dma_start3A_250] : memref<2x128x128xf32, #tpu.memory_space<vmem>> -> memref<1x128x128xf32, #tpu.memory_space<vmem>>
      %dma_start3A_252 = tpu.memref_squeeze %dma_start3A_251 : memref<1x128x128xf32, #tpu.memory_space<vmem>> -> memref<128x128xf32, #tpu.memory_space<vmem>>
      %dma_start3A_253 = arith.constant 0 : i32
      %dma_start3A_254 = tpu.memref_slice %arg2[%add3A_232, %dma_start3A_253] : memref<160000x128xf32, #tpu.memory_space<hbm>> -> memref<128x128xf32, #tpu.memory_space<hbm>>
      tpu.enqueue_dma source(%dma_start3A_254 : memref<128x128xf32, #tpu.memory_space<hbm>>) target(%dma_start3A_252 : memref<128x128xf32, #tpu.memory_space<vmem>>) target_semaphore(%arg12 : memref<!tpu.dma_semaphore, #tpu.memory_space<semaphore_mem>>)
      %dma_wait3A_255 = arith.constant 0 : i32
      %dma_wait3A_256 = arith.constant 0 : i32
      %dma_wait3A_257 = tpu.memref_slice %arg9[%dma_wait3A_255, %dma_wait3A_256] : memref<2x128xi32, #tpu.memory_space<vmem>> -> memref<1x128xi32, #tpu.memory_space<vmem>>
      %dma_wait3A_258 = tpu.memref_squeeze %dma_wait3A_257 : memref<1x128xi32, #tpu.memory_space<vmem>> -> memref<128xi32, #tpu.memory_space<vmem>>
      %dma_wait3A_259 = arith.constant 0 : i32
      %dma_wait3A_260 = tpu.memref_slice %arg3[%dma_wait3A_259] : memref<160000xi32, #tpu.memory_space<hbm>> -> memref<128xi32, #tpu.memory_space<hbm>>
      %dma_wait3A_261 = arith.constant 0 : i32
      %dma_wait3A_262 = tpu.memref_slice %arg9[%dma_wait3A_255, %dma_wait3A_261] : memref<2x128xi32, #tpu.memory_space<vmem>> -> memref<1x128xi32, #tpu.memory_space<vmem>>
      %dma_wait3A_263 = tpu.memref_squeeze %dma_wait3A_262 : memref<1x128xi32, #tpu.memory_space<vmem>> -> memref<128xi32, #tpu.memory_space<vmem>>
      %dma_wait3A_264 = arith.constant 0 : i32
      %dma_wait3A_265 = tpu.memref_slice %arg3[%dma_wait3A_264] : memref<160000xi32, #tpu.memory_space<hbm>> -> memref<128xi32, #tpu.memory_space<hbm>>
      tpu.wait_dma2 semaphore(%arg11 : memref<!tpu.dma_semaphore, #tpu.memory_space<semaphore_mem>>) src(%dma_wait3A_265 : memref<128xi32, #tpu.memory_space<hbm>>) dst(%dma_wait3A_263 : memref<128xi32, #tpu.memory_space<vmem>>)
      %dma_wait3A_266 = arith.constant 0 : i32
      %dma_wait3A_267 = arith.constant 0 : i32
      %dma_wait3A_268 = arith.constant 0 : i32
      %dma_wait3A_269 = tpu.memref_slice %arg8[%dma_wait3A_266, %dma_wait3A_267, %dma_wait3A_268] : memref<2x128x128xf32, #tpu.memory_space<vmem>> -> memref<1x128x128xf32, #tpu.memory_space<vmem>>
      %dma_wait3A_270 = tpu.memref_squeeze %dma_wait3A_269 : memref<1x128x128xf32, #tpu.memory_space<vmem>> -> memref<128x128xf32, #tpu.memory_space<vmem>>
      %dma_wait3A_271 = arith.constant 0 : i32
      %dma_wait3A_272 = arith.constant 0 : i32
      %dma_wait3A_273 = tpu.memref_slice %arg2[%dma_wait3A_271, %dma_wait3A_272] : memref<160000x128xf32, #tpu.memory_space<hbm>> -> memref<128x128xf32, #tpu.memory_space<hbm>>
      %dma_wait3A_274 = arith.constant 0 : i32
      %dma_wait3A_275 = arith.constant 0 : i32
      %dma_wait3A_276 = tpu.memref_slice %arg8[%dma_wait3A_266, %dma_wait3A_274, %dma_wait3A_275] : memref<2x128x128xf32, #tpu.memory_space<vmem>> -> memref<1x128x128xf32, #tpu.memory_space<vmem>>
      %dma_wait3A_277 = tpu.memref_squeeze %dma_wait3A_276 : memref<1x128x128xf32, #tpu.memory_space<vmem>> -> memref<128x128xf32, #tpu.memory_space<vmem>>
      %dma_wait3A_278 = arith.constant 0 : i32
      %dma_wait3A_279 = arith.constant 0 : i32
      %dma_wait3A_280 = tpu.memref_slice %arg2[%dma_wait3A_278, %dma_wait3A_279] : memref<160000x128xf32, #tpu.memory_space<hbm>> -> memref<128x128xf32, #tpu.memory_space<hbm>>
      tpu.wait_dma2 semaphore(%arg11 : memref<!tpu.dma_semaphore, #tpu.memory_space<semaphore_mem>>) src(%dma_wait3A_280 : memref<128x128xf32, #tpu.memory_space<hbm>>) dst(%dma_wait3A_277 : memref<128x128xf32, #tpu.memory_space<vmem>>)
      %run_scoped3A_281 = arith.constant 0 : i32
      %run_scoped3A_282 = arith.constant 0 : i32
      "tpu.region"() ({
        %run_scoped3A_340 = tpu.sem_alloc : memref<!tpu.dma_semaphore, #tpu.memory_space<semaphore_mem>>
        %dma_start3A_341 = arith.constant 0 : i32
        %dma_start3A_342 = arith.constant 0 : i32
        %dma_start3A_343 = tpu.memref_slice %arg8[%run_scoped3A_281, %dma_start3A_341, %dma_start3A_342] : memref<2x128x128xf32, #tpu.memory_space<vmem>> -> memref<1x128x128xf32, #tpu.memory_space<vmem>>
        %dma_start3A_344 = tpu.memref_squeeze %dma_start3A_343 : memref<1x128x128xf32, #tpu.memory_space<vmem>> -> memref<128x128xf32, #tpu.memory_space<vmem>>
        %dma_start3A_345 = arith.constant 0 : i32
        %dma_start3A_346 = tpu.memref_slice %arg9[%run_scoped3A_282, %dma_start3A_345] : memref<2x128xi32, #tpu.memory_space<vmem>> -> memref<1x128xi32, #tpu.memory_space<vmem>>
        %dma_start3A_347 = tpu.memref_squeeze %dma_start3A_346 : memref<1x128xi32, #tpu.memory_space<vmem>> -> memref<128xi32, #tpu.memory_space<vmem>>
        %dma_start3A_348 = arith.constant 0 : i32
        %dma_start3A_349 = arith.constant 0 : i32
        %dma_start3A_350 = tpu.memref_slice %arg10[%dma_start3A_348, %dma_start3A_349] : memref<10240x128xf32, #tpu.memory_space<vmem_shared>> -> memref<10240x128xf32, #tpu.memory_space<vmem_shared>>
        tpu.enqueue_indirect_dma source(%dma_start3A_344 : memref<128x128xf32, #tpu.memory_space<vmem>>) target(%dma_start3A_350 : memref<10240x128xf32, #tpu.memory_space<vmem_shared>>) offsets(%dma_start3A_347 : memref<128xi32, #tpu.memory_space<vmem>>) semaphore(%run_scoped3A_340 : memref<!tpu.dma_semaphore, #tpu.memory_space<semaphore_mem>>) {add = true}
        %dma_wait3A_351 = arith.constant 0 : i32
        %dma_wait3A_352 = arith.constant 0 : i32
        %dma_wait3A_353 = tpu.memref_slice %arg8[%run_scoped3A_281, %dma_wait3A_351, %dma_wait3A_352] : memref<2x128x128xf32, #tpu.memory_space<vmem>> -> memref<1x128x128xf32, #tpu.memory_space<vmem>>
        %dma_wait3A_354 = tpu.memref_squeeze %dma_wait3A_353 : memref<1x128x128xf32, #tpu.memory_space<vmem>> -> memref<128x128xf32, #tpu.memory_space<vmem>>
        %dma_wait3A_355 = arith.constant 0 : i32
        %dma_wait3A_356 = tpu.memref_slice %arg9[%run_scoped3A_282, %dma_wait3A_355] : memref<2x128xi32, #tpu.memory_space<vmem>> -> memref<1x128xi32, #tpu.memory_space<vmem>>
        %dma_wait3A_357 = tpu.memref_squeeze %dma_wait3A_356 : memref<1x128xi32, #tpu.memory_space<vmem>> -> memref<128xi32, #tpu.memory_space<vmem>>
        %dma_wait3A_358 = arith.constant 0 : i32
        %dma_wait3A_359 = arith.constant 0 : i32
        %dma_wait3A_360 = tpu.memref_slice %arg10[%dma_wait3A_358, %dma_wait3A_359] : memref<10240x128xf32, #tpu.memory_space<vmem_shared>> -> memref<10240x128xf32, #tpu.memory_space<vmem_shared>>
        tpu.wait_indirect_dma semaphore(%run_scoped3A_340 : memref<!tpu.dma_semaphore, #tpu.memory_space<semaphore_mem>>) src(%dma_wait3A_354 : memref<128x128xf32, #tpu.memory_space<vmem>>) dst(%dma_wait3A_360 : memref<10240x128xf32, #tpu.memory_space<vmem_shared>>)
        tpu.yield
      }) : () -> ()
      %mul3A_283 = arith.constant 2 : i32
      %mul3A_284 = arith.muli %mul3A_283, %scan3A_225 : i32
      %add3A_285 = arith.constant 2 : i32
      %add3A_286 = arith.addi %mul3A_284, %add3A_285 : i32
      %mul3A_287 = arith.constant 128 : i32
      %mul3A_288 = arith.muli %add3A_286, %mul3A_287 : i32
      %add3A_289 = arith.addi %mul3A_4, %mul3A_288 : i32
      %dma_start3A_290 = arith.constant 0 : i32
      %dma_start3A_291 = arith.constant 0 : i32
      %dma_start3A_292 = tpu.memref_slice %arg9[%dma_start3A_290, %dma_start3A_291] : memref<2x128xi32, #tpu.memory_space<vmem>> -> memref<1x128xi32, #tpu.memory_space<vmem>>
      %dma_start3A_293 = tpu.memref_squeeze %dma_start3A_292 : memref<1x128xi32, #tpu.memory_space<vmem>> -> memref<128xi32, #tpu.memory_space<vmem>>
      %dma_start3A_294 = tpu.memref_slice %arg3[%add3A_289] : memref<160000xi32, #tpu.memory_space<hbm>> -> memref<128xi32, #tpu.memory_space<hbm>>
      %dma_start3A_295 = arith.constant 0 : i32
      %dma_start3A_296 = tpu.memref_slice %arg9[%dma_start3A_290, %dma_start3A_295] : memref<2x128xi32, #tpu.memory_space<vmem>> -> memref<1x128xi32, #tpu.memory_space<vmem>>
      %dma_start3A_297 = tpu.memref_squeeze %dma_start3A_296 : memref<1x128xi32, #tpu.memory_space<vmem>> -> memref<128xi32, #tpu.memory_space<vmem>>
      %dma_start3A_298 = tpu.memref_slice %arg3[%add3A_289] : memref<160000xi32, #tpu.memory_space<hbm>> -> memref<128xi32, #tpu.memory_space<hbm>>
      tpu.enqueue_dma source(%dma_start3A_298 : memref<128xi32, #tpu.memory_space<hbm>>) target(%dma_start3A_297 : memref<128xi32, #tpu.memory_space<vmem>>) target_semaphore(%arg11 : memref<!tpu.dma_semaphore, #tpu.memory_space<semaphore_mem>>)
      %dma_start3A_299 = arith.constant 0 : i32
      %dma_start3A_300 = arith.constant 0 : i32
      %dma_start3A_301 = arith.constant 0 : i32
      %dma_start3A_302 = tpu.memref_slice %arg8[%dma_start3A_299, %dma_start3A_300, %dma_start3A_301] : memref<2x128x128xf32, #tpu.memory_space<vmem>> -> memref<1x128x128xf32, #tpu.memory_space<vmem>>
      %dma_start3A_303 = tpu.memref_squeeze %dma_start3A_302 : memref<1x128x128xf32, #tpu.memory_space<vmem>> -> memref<128x128xf32, #tpu.memory_space<vmem>>
      %dma_start3A_304 = arith.constant 0 : i32
      %dma_start3A_305 = tpu.memref_slice %arg2[%add3A_289, %dma_start3A_304] : memref<160000x128xf32, #tpu.memory_space<hbm>> -> memref<128x128xf32, #tpu.memory_space<hbm>>
      %dma_start3A_306 = arith.constant 0 : i32
      %dma_start3A_307 = arith.constant 0 : i32
      %dma_start3A_308 = tpu.memref_slice %arg8[%dma_start3A_299, %dma_start3A_306, %dma_start3A_307] : memref<2x128x128xf32, #tpu.memory_space<vmem>> -> memref<1x128x128xf32, #tpu.memory_space<vmem>>
      %dma_start3A_309 = tpu.memref_squeeze %dma_start3A_308 : memref<1x128x128xf32, #tpu.memory_space<vmem>> -> memref<128x128xf32, #tpu.memory_space<vmem>>
      %dma_start3A_310 = arith.constant 0 : i32
      %dma_start3A_311 = tpu.memref_slice %arg2[%add3A_289, %dma_start3A_310] : memref<160000x128xf32, #tpu.memory_space<hbm>> -> memref<128x128xf32, #tpu.memory_space<hbm>>
      tpu.enqueue_dma source(%dma_start3A_311 : memref<128x128xf32, #tpu.memory_space<hbm>>) target(%dma_start3A_309 : memref<128x128xf32, #tpu.memory_space<vmem>>) target_semaphore(%arg11 : memref<!tpu.dma_semaphore, #tpu.memory_space<semaphore_mem>>)
      %dma_wait3A_312 = arith.constant 1 : i32
      %dma_wait3A_313 = arith.constant 0 : i32
      %dma_wait3A_314 = tpu.memref_slice %arg9[%dma_wait3A_312, %dma_wait3A_313] : memref<2x128xi32, #tpu.memory_space<vmem>> -> memref<1x128xi32, #tpu.memory_space<vmem>>
      %dma_wait3A_315 = tpu.memref_squeeze %dma_wait3A_314 : memref<1x128xi32, #tpu.memory_space<vmem>> -> memref<128xi32, #tpu.memory_space<vmem>>
      %dma_wait3A_316 = arith.constant 0 : i32
      %dma_wait3A_317 = tpu.memref_slice %arg3[%dma_wait3A_316] : memref<160000xi32, #tpu.memory_space<hbm>> -> memref<128xi32, #tpu.memory_space<hbm>>
      %dma_wait3A_318 = arith.constant 0 : i32
      %dma_wait3A_319 = tpu.memref_slice %arg9[%dma_wait3A_312, %dma_wait3A_318] : memref<2x128xi32, #tpu.memory_space<vmem>> -> memref<1x128xi32, #tpu.memory_space<vmem>>
      %dma_wait3A_320 = tpu.memref_squeeze %dma_wait3A_319 : memref<1x128xi32, #tpu.memory_space<vmem>> -> memref<128xi32, #tpu.memory_space<vmem>>
      %dma_wait3A_321 = arith.constant 0 : i32
      %dma_wait3A_322 = tpu.memref_slice %arg3[%dma_wait3A_321] : memref<160000xi32, #tpu.memory_space<hbm>> -> memref<128xi32, #tpu.memory_space<hbm>>
      tpu.wait_dma2 semaphore(%arg12 : memref<!tpu.dma_semaphore, #tpu.memory_space<semaphore_mem>>) src(%dma_wait3A_322 : memref<128xi32, #tpu.memory_space<hbm>>) dst(%dma_wait3A_320 : memref<128xi32, #tpu.memory_space<vmem>>)
      %dma_wait3A_323 = arith.constant 1 : i32
      %dma_wait3A_324 = arith.constant 0 : i32
      %dma_wait3A_325 = arith.constant 0 : i32
      %dma_wait3A_326 = tpu.memref_slice %arg8[%dma_wait3A_323, %dma_wait3A_324, %dma_wait3A_325] : memref<2x128x128xf32, #tpu.memory_space<vmem>> -> memref<1x128x128xf32, #tpu.memory_space<vmem>>
      %dma_wait3A_327 = tpu.memref_squeeze %dma_wait3A_326 : memref<1x128x128xf32, #tpu.memory_space<vmem>> -> memref<128x128xf32, #tpu.memory_space<vmem>>
      %dma_wait3A_328 = arith.constant 0 : i32
      %dma_wait3A_329 = arith.constant 0 : i32
      %dma_wait3A_330 = tpu.memref_slice %arg2[%dma_wait3A_328, %dma_wait3A_329] : memref<160000x128xf32, #tpu.memory_space<hbm>> -> memref<128x128xf32, #tpu.memory_space<hbm>>
      %dma_wait3A_331 = arith.constant 0 : i32
      %dma_wait3A_332 = arith.constant 0 : i32
      %dma_wait3A_333 = tpu.memref_slice %arg8[%dma_wait3A_323, %dma_wait3A_331, %dma_wait3A_332] : memref<2x128x128xf32, #tpu.memory_space<vmem>> -> memref<1x128x128xf32, #tpu.memory_space<vmem>>
      %dma_wait3A_334 = tpu.memref_squeeze %dma_wait3A_333 : memref<1x128x128xf32, #tpu.memory_space<vmem>> -> memref<128x128xf32, #tpu.memory_space<vmem>>
      %dma_wait3A_335 = arith.constant 0 : i32
      %dma_wait3A_336 = arith.constant 0 : i32
      %dma_wait3A_337 = tpu.memref_slice %arg2[%dma_wait3A_335, %dma_wait3A_336] : memref<160000x128xf32, #tpu.memory_space<hbm>> -> memref<128x128xf32, #tpu.memory_space<hbm>>
      tpu.wait_dma2 semaphore(%arg12 : memref<!tpu.dma_semaphore, #tpu.memory_space<semaphore_mem>>) src(%dma_wait3A_337 : memref<128x128xf32, #tpu.memory_space<hbm>>) dst(%dma_wait3A_334 : memref<128x128xf32, #tpu.memory_space<vmem>>)
      %run_scoped3A_338 = arith.constant 1 : i32
      %run_scoped3A_339 = arith.constant 1 : i32
      "tpu.region"() ({
        %run_scoped3A_340 = tpu.sem_alloc : memref<!tpu.dma_semaphore, #tpu.memory_space<semaphore_mem>>
        %dma_start3A_341 = arith.constant 0 : i32
        %dma_start3A_342 = arith.constant 0 : i32
        %dma_start3A_343 = tpu.memref_slice %arg8[%run_scoped3A_338, %dma_start3A_341, %dma_start3A_342] : memref<2x128x128xf32, #tpu.memory_space<vmem>> -> memref<1x128x128xf32, #tpu.memory_space<vmem>>
        %dma_start3A_344 = tpu.memref_squeeze %dma_start3A_343 : memref<1x128x128xf32, #tpu.memory_space<vmem>> -> memref<128x128xf32, #tpu.memory_space<vmem>>
        %dma_start3A_345 = arith.constant 0 : i32
        %dma_start3A_346 = tpu.memref_slice %arg9[%run_scoped3A_339, %dma_start3A_345] : memref<2x128xi32, #tpu.memory_space<vmem>> -> memref<1x128xi32, #tpu.memory_space<vmem>>
        %dma_start3A_347 = tpu.memref_squeeze %dma_start3A_346 : memref<1x128xi32, #tpu.memory_space<vmem>> -> memref<128xi32, #tpu.memory_space<vmem>>
        %dma_start3A_348 = arith.constant 0 : i32
        %dma_start3A_349 = arith.constant 0 : i32
        %dma_start3A_350 = tpu.memref_slice %arg10[%dma_start3A_348, %dma_start3A_349] : memref<10240x128xf32, #tpu.memory_space<vmem_shared>> -> memref<10240x128xf32, #tpu.memory_space<vmem_shared>>
        tpu.enqueue_indirect_dma source(%dma_start3A_344 : memref<128x128xf32, #tpu.memory_space<vmem>>) target(%dma_start3A_350 : memref<10240x128xf32, #tpu.memory_space<vmem_shared>>) offsets(%dma_start3A_347 : memref<128xi32, #tpu.memory_space<vmem>>) semaphore(%run_scoped3A_340 : memref<!tpu.dma_semaphore, #tpu.memory_space<semaphore_mem>>) {add = true}
        %dma_wait3A_351 = arith.constant 0 : i32
        %dma_wait3A_352 = arith.constant 0 : i32
        %dma_wait3A_353 = tpu.memref_slice %arg8[%run_scoped3A_338, %dma_wait3A_351, %dma_wait3A_352] : memref<2x128x128xf32, #tpu.memory_space<vmem>> -> memref<1x128x128xf32, #tpu.memory_space<vmem>>
        %dma_wait3A_354 = tpu.memref_squeeze %dma_wait3A_353 : memref<1x128x128xf32, #tpu.memory_space<vmem>> -> memref<128x128xf32, #tpu.memory_space<vmem>>
        %dma_wait3A_355 = arith.constant 0 : i32
        %dma_wait3A_356 = tpu.memref_slice %arg9[%run_scoped3A_339, %dma_wait3A_355] : memref<2x128xi32, #tpu.memory_space<vmem>> -> memref<1x128xi32, #tpu.memory_space<vmem>>
        %dma_wait3A_357 = tpu.memref_squeeze %dma_wait3A_356 : memref<1x128xi32, #tpu.memory_space<vmem>> -> memref<128xi32, #tpu.memory_space<vmem>>
        %dma_wait3A_358 = arith.constant 0 : i32
        %dma_wait3A_359 = arith.constant 0 : i32
        %dma_wait3A_360 = tpu.memref_slice %arg10[%dma_wait3A_358, %dma_wait3A_359] : memref<10240x128xf32, #tpu.memory_space<vmem_shared>> -> memref<10240x128xf32, #tpu.memory_space<vmem_shared>>
        tpu.wait_indirect_dma semaphore(%run_scoped3A_340 : memref<!tpu.dma_semaphore, #tpu.memory_space<semaphore_mem>>) src(%dma_wait3A_354 : memref<128x128xf32, #tpu.memory_space<vmem>>) dst(%dma_wait3A_360 : memref<10240x128xf32, #tpu.memory_space<vmem_shared>>)
        tpu.yield
      }) : () -> ()
    }
    %scan3A_30 = arith.constant 19 : i32
    %dma_wait3A = arith.constant 0 : i32
    %dma_wait3A_31 = arith.constant 0 : i32
    %dma_wait3A_32 = tpu.memref_slice %arg9[%dma_wait3A, %dma_wait3A_31] : memref<2x128xi32, #tpu.memory_space<vmem>> -> memref<1x128xi32, #tpu.memory_space<vmem>>
    %dma_wait3A_33 = tpu.memref_squeeze %dma_wait3A_32 : memref<1x128xi32, #tpu.memory_space<vmem>> -> memref<128xi32, #tpu.memory_space<vmem>>
    %dma_wait3A_34 = arith.constant 0 : i32
    %dma_wait3A_35 = tpu.memref_slice %arg3[%dma_wait3A_34] : memref<160000xi32, #tpu.memory_space<hbm>> -> memref<128xi32, #tpu.memory_space<hbm>>
    %dma_wait3A_36 = arith.constant 0 : i32
    %dma_wait3A_37 = tpu.memref_slice %arg9[%dma_wait3A, %dma_wait3A_36] : memref<2x128xi32, #tpu.memory_space<vmem>> -> memref<1x128xi32, #tpu.memory_space<vmem>>
    %dma_wait3A_38 = tpu.memref_squeeze %dma_wait3A_37 : memref<1x128xi32, #tpu.memory_space<vmem>> -> memref<128xi32, #tpu.memory_space<vmem>>
    %dma_wait3A_39 = arith.constant 0 : i32
    %dma_wait3A_40 = tpu.memref_slice %arg3[%dma_wait3A_39] : memref<160000xi32, #tpu.memory_space<hbm>> -> memref<128xi32, #tpu.memory_space<hbm>>
    tpu.wait_dma2 semaphore(%arg11 : memref<!tpu.dma_semaphore, #tpu.memory_space<semaphore_mem>>) src(%dma_wait3A_40 : memref<128xi32, #tpu.memory_space<hbm>>) dst(%dma_wait3A_38 : memref<128xi32, #tpu.memory_space<vmem>>)
    %dma_wait3A_41 = arith.constant 0 : i32
    %dma_wait3A_42 = arith.constant 0 : i32
    %dma_wait3A_43 = arith.constant 0 : i32
    %dma_wait3A_44 = tpu.memref_slice %arg8[%dma_wait3A_41, %dma_wait3A_42, %dma_wait3A_43] : memref<2x128x128xf32, #tpu.memory_space<vmem>> -> memref<1x128x128xf32, #tpu.memory_space<vmem>>
    %dma_wait3A_45 = tpu.memref_squeeze %dma_wait3A_44 : memref<1x128x128xf32, #tpu.memory_space<vmem>> -> memref<128x128xf32, #tpu.memory_space<vmem>>
    %dma_wait3A_46 = arith.constant 0 : i32
    %dma_wait3A_47 = arith.constant 0 : i32
    %dma_wait3A_48 = tpu.memref_slice %arg2[%dma_wait3A_46, %dma_wait3A_47] : memref<160000x128xf32, #tpu.memory_space<hbm>> -> memref<128x128xf32, #tpu.memory_space<hbm>>
    %dma_wait3A_49 = arith.constant 0 : i32
    %dma_wait3A_50 = arith.constant 0 : i32
    %dma_wait3A_51 = tpu.memref_slice %arg8[%dma_wait3A_41, %dma_wait3A_49, %dma_wait3A_50] : memref<2x128x128xf32, #tpu.memory_space<vmem>> -> memref<1x128x128xf32, #tpu.memory_space<vmem>>
    %dma_wait3A_52 = tpu.memref_squeeze %dma_wait3A_51 : memref<1x128x128xf32, #tpu.memory_space<vmem>> -> memref<128x128xf32, #tpu.memory_space<vmem>>
    %dma_wait3A_53 = arith.constant 0 : i32
    %dma_wait3A_54 = arith.constant 0 : i32
    %dma_wait3A_55 = tpu.memref_slice %arg2[%dma_wait3A_53, %dma_wait3A_54] : memref<160000x128xf32, #tpu.memory_space<hbm>> -> memref<128x128xf32, #tpu.memory_space<hbm>>
    tpu.wait_dma2 semaphore(%arg11 : memref<!tpu.dma_semaphore, #tpu.memory_space<semaphore_mem>>) src(%dma_wait3A_55 : memref<128x128xf32, #tpu.memory_space<hbm>>) dst(%dma_wait3A_52 : memref<128x128xf32, #tpu.memory_space<vmem>>)
    %run_scoped3A = arith.constant 0 : i32
    %run_scoped3A_56 = arith.constant 0 : i32
    "tpu.region"() ({
      %run_scoped3A_225 = tpu.sem_alloc : memref<!tpu.dma_semaphore, #tpu.memory_space<semaphore_mem>>
      %dma_start3A_226 = arith.constant 0 : i32
      %dma_start3A_227 = arith.constant 0 : i32
      %dma_start3A_228 = tpu.memref_slice %arg8[%run_scoped3A, %dma_start3A_226, %dma_start3A_227] : memref<2x128x128xf32, #tpu.memory_space<vmem>> -> memref<1x128x128xf32, #tpu.memory_space<vmem>>
      %dma_start3A_229 = tpu.memref_squeeze %dma_start3A_228 : memref<1x128x128xf32, #tpu.memory_space<vmem>> -> memref<128x128xf32, #tpu.memory_space<vmem>>
      %dma_start3A_230 = arith.constant 0 : i32
      %dma_start3A_231 = tpu.memref_slice %arg9[%run_scoped3A_56, %dma_start3A_230] : memref<2x128xi32, #tpu.memory_space<vmem>> -> memref<1x128xi32, #tpu.memory_space<vmem>>
      %dma_start3A_232 = tpu.memref_squeeze %dma_start3A_231 : memref<1x128xi32, #tpu.memory_space<vmem>> -> memref<128xi32, #tpu.memory_space<vmem>>
      %dma_start3A_233 = arith.constant 0 : i32
      %dma_start3A_234 = arith.constant 0 : i32
      %dma_start3A_235 = tpu.memref_slice %arg10[%dma_start3A_233, %dma_start3A_234] : memref<10240x128xf32, #tpu.memory_space<vmem_shared>> -> memref<10240x128xf32, #tpu.memory_space<vmem_shared>>
      tpu.enqueue_indirect_dma source(%dma_start3A_229 : memref<128x128xf32, #tpu.memory_space<vmem>>) target(%dma_start3A_235 : memref<10240x128xf32, #tpu.memory_space<vmem_shared>>) offsets(%dma_start3A_232 : memref<128xi32, #tpu.memory_space<vmem>>) semaphore(%run_scoped3A_225 : memref<!tpu.dma_semaphore, #tpu.memory_space<semaphore_mem>>) {add = true}
      %dma_wait3A_236 = arith.constant 0 : i32
      %dma_wait3A_237 = arith.constant 0 : i32
      %dma_wait3A_238 = tpu.memref_slice %arg8[%run_scoped3A, %dma_wait3A_236, %dma_wait3A_237] : memref<2x128x128xf32, #tpu.memory_space<vmem>> -> memref<1x128x128xf32, #tpu.memory_space<vmem>>
      %dma_wait3A_239 = tpu.memref_squeeze %dma_wait3A_238 : memref<1x128x128xf32, #tpu.memory_space<vmem>> -> memref<128x128xf32, #tpu.memory_space<vmem>>
      %dma_wait3A_240 = arith.constant 0 : i32
      %dma_wait3A_241 = tpu.memref_slice %arg9[%run_scoped3A_56, %dma_wait3A_240] : memref<2x128xi32, #tpu.memory_space<vmem>> -> memref<1x128xi32, #tpu.memory_space<vmem>>
      %dma_wait3A_242 = tpu.memref_squeeze %dma_wait3A_241 : memref<1x128xi32, #tpu.memory_space<vmem>> -> memref<128xi32, #tpu.memory_space<vmem>>
      %dma_wait3A_243 = arith.constant 0 : i32
      %dma_wait3A_244 = arith.constant 0 : i32
      %dma_wait3A_245 = tpu.memref_slice %arg10[%dma_wait3A_243, %dma_wait3A_244] : memref<10240x128xf32, #tpu.memory_space<vmem_shared>> -> memref<10240x128xf32, #tpu.memory_space<vmem_shared>>
      tpu.wait_indirect_dma semaphore(%run_scoped3A_225 : memref<!tpu.dma_semaphore, #tpu.memory_space<semaphore_mem>>) src(%dma_wait3A_239 : memref<128x128xf32, #tpu.memory_space<vmem>>) dst(%dma_wait3A_245 : memref<10240x128xf32, #tpu.memory_space<vmem_shared>>)
      tpu.yield
    }) : () -> ()
    %eq3A = arith.constant 0 : i32
    %eq3A_57 = arith.cmpi eq, %add3A, %eq3A : i32
    %convert_element_type3A = arith.extui %eq3A_57 : i1 to i32
    %cond3A = arith.constant 0 : i32
    %cond3A_58 = arith.cmpi ne, %convert_element_type3A, %cond3A : i32
    scf.if %cond3A_58 {
      %dma_start3A_225 = arith.constant 0 : i32
      %dma_start3A_226 = arith.constant 0 : i32
      %dma_start3A_227 = tpu.memref_slice %arg9[%dma_start3A_225, %dma_start3A_226] : memref<2x128xi32, #tpu.memory_space<vmem>> -> memref<1x128xi32, #tpu.memory_space<vmem>>
      %dma_start3A_228 = tpu.memref_squeeze %dma_start3A_227 : memref<1x128xi32, #tpu.memory_space<vmem>> -> memref<128xi32, #tpu.memory_space<vmem>>
      %dma_start3A_229 = arith.constant 159744 : i32
      %dma_start3A_230 = tpu.memref_slice %arg3[%dma_start3A_229] : memref<160000xi32, #tpu.memory_space<hbm>> -> memref<128xi32, #tpu.memory_space<hbm>>
      %dma_start3A_231 = arith.constant 0 : i32
      %dma_start3A_232 = tpu.memref_slice %arg9[%dma_start3A_225, %dma_start3A_231] : memref<2x128xi32, #tpu.memory_space<vmem>> -> memref<1x128xi32, #tpu.memory_space<vmem>>
      %dma_start3A_233 = tpu.memref_squeeze %dma_start3A_232 : memref<1x128xi32, #tpu.memory_space<vmem>> -> memref<128xi32, #tpu.memory_space<vmem>>
      %dma_start3A_234 = arith.constant 159744 : i32
      %dma_start3A_235 = tpu.memref_slice %arg3[%dma_start3A_234] : memref<160000xi32, #tpu.memory_space<hbm>> -> memref<128xi32, #tpu.memory_space<hbm>>
      tpu.enqueue_dma source(%dma_start3A_235 : memref<128xi32, #tpu.memory_space<hbm>>) target(%dma_start3A_233 : memref<128xi32, #tpu.memory_space<vmem>>) target_semaphore(%arg11 : memref<!tpu.dma_semaphore, #tpu.memory_space<semaphore_mem>>)
      %dma_start3A_236 = arith.constant 0 : i32
      %dma_start3A_237 = arith.constant 0 : i32
      %dma_start3A_238 = arith.constant 0 : i32
      %dma_start3A_239 = tpu.memref_slice %arg8[%dma_start3A_236, %dma_start3A_237, %dma_start3A_238] : memref<2x128x128xf32, #tpu.memory_space<vmem>> -> memref<1x128x128xf32, #tpu.memory_space<vmem>>
      %dma_start3A_240 = tpu.memref_squeeze %dma_start3A_239 : memref<1x128x128xf32, #tpu.memory_space<vmem>> -> memref<128x128xf32, #tpu.memory_space<vmem>>
      %dma_start3A_241 = arith.constant 159744 : i32
      %dma_start3A_242 = arith.constant 0 : i32
      %dma_start3A_243 = tpu.memref_slice %arg2[%dma_start3A_241, %dma_start3A_242] : memref<160000x128xf32, #tpu.memory_space<hbm>> -> memref<128x128xf32, #tpu.memory_space<hbm>>
      %dma_start3A_244 = arith.constant 0 : i32
      %dma_start3A_245 = arith.constant 0 : i32
      %dma_start3A_246 = tpu.memref_slice %arg8[%dma_start3A_236, %dma_start3A_244, %dma_start3A_245] : memref<2x128x128xf32, #tpu.memory_space<vmem>> -> memref<1x128x128xf32, #tpu.memory_space<vmem>>
      %dma_start3A_247 = tpu.memref_squeeze %dma_start3A_246 : memref<1x128x128xf32, #tpu.memory_space<vmem>> -> memref<128x128xf32, #tpu.memory_space<vmem>>
      %dma_start3A_248 = arith.constant 159744 : i32
      %dma_start3A_249 = arith.constant 0 : i32
      %dma_start3A_250 = tpu.memref_slice %arg2[%dma_start3A_248, %dma_start3A_249] : memref<160000x128xf32, #tpu.memory_space<hbm>> -> memref<128x128xf32, #tpu.memory_space<hbm>>
      tpu.enqueue_dma source(%dma_start3A_250 : memref<128x128xf32, #tpu.memory_space<hbm>>) target(%dma_start3A_247 : memref<128x128xf32, #tpu.memory_space<vmem>>) target_semaphore(%arg11 : memref<!tpu.dma_semaphore, #tpu.memory_space<semaphore_mem>>)
      %dma_wait3A_251 = arith.constant 0 : i32
      %dma_wait3A_252 = arith.constant 0 : i32
      %dma_wait3A_253 = tpu.memref_slice %arg9[%dma_wait3A_251, %dma_wait3A_252] : memref<2x128xi32, #tpu.memory_space<vmem>> -> memref<1x128xi32, #tpu.memory_space<vmem>>
      %dma_wait3A_254 = tpu.memref_squeeze %dma_wait3A_253 : memref<1x128xi32, #tpu.memory_space<vmem>> -> memref<128xi32, #tpu.memory_space<vmem>>
      %dma_wait3A_255 = arith.constant 0 : i32
      %dma_wait3A_256 = tpu.memref_slice %arg3[%dma_wait3A_255] : memref<160000xi32, #tpu.memory_space<hbm>> -> memref<128xi32, #tpu.memory_space<hbm>>
      %dma_wait3A_257 = arith.constant 0 : i32
      %dma_wait3A_258 = tpu.memref_slice %arg9[%dma_wait3A_251, %dma_wait3A_257] : memref<2x128xi32, #tpu.memory_space<vmem>> -> memref<1x128xi32, #tpu.memory_space<vmem>>
      %dma_wait3A_259 = tpu.memref_squeeze %dma_wait3A_258 : memref<1x128xi32, #tpu.memory_space<vmem>> -> memref<128xi32, #tpu.memory_space<vmem>>
      %dma_wait3A_260 = arith.constant 0 : i32
      %dma_wait3A_261 = tpu.memref_slice %arg3[%dma_wait3A_260] : memref<160000xi32, #tpu.memory_space<hbm>> -> memref<128xi32, #tpu.memory_space<hbm>>
      tpu.wait_dma2 semaphore(%arg11 : memref<!tpu.dma_semaphore, #tpu.memory_space<semaphore_mem>>) src(%dma_wait3A_261 : memref<128xi32, #tpu.memory_space<hbm>>) dst(%dma_wait3A_259 : memref<128xi32, #tpu.memory_space<vmem>>)
      %dma_wait3A_262 = arith.constant 0 : i32
      %dma_wait3A_263 = arith.constant 0 : i32
      %dma_wait3A_264 = arith.constant 0 : i32
      %dma_wait3A_265 = tpu.memref_slice %arg8[%dma_wait3A_262, %dma_wait3A_263, %dma_wait3A_264] : memref<2x128x128xf32, #tpu.memory_space<vmem>> -> memref<1x128x128xf32, #tpu.memory_space<vmem>>
      %dma_wait3A_266 = tpu.memref_squeeze %dma_wait3A_265 : memref<1x128x128xf32, #tpu.memory_space<vmem>> -> memref<128x128xf32, #tpu.memory_space<vmem>>
      %dma_wait3A_267 = arith.constant 0 : i32
      %dma_wait3A_268 = arith.constant 0 : i32
      %dma_wait3A_269 = tpu.memref_slice %arg2[%dma_wait3A_267, %dma_wait3A_268] : memref<160000x128xf32, #tpu.memory_space<hbm>> -> memref<128x128xf32, #tpu.memory_space<hbm>>
      %dma_wait3A_270 = arith.constant 0 : i32
      %dma_wait3A_271 = arith.constant 0 : i32
      %dma_wait3A_272 = tpu.memref_slice %arg8[%dma_wait3A_262, %dma_wait3A_270, %dma_wait3A_271] : memref<2x128x128xf32, #tpu.memory_space<vmem>> -> memref<1x128x128xf32, #tpu.memory_space<vmem>>
      %dma_wait3A_273 = tpu.memref_squeeze %dma_wait3A_272 : memref<1x128x128xf32, #tpu.memory_space<vmem>> -> memref<128x128xf32, #tpu.memory_space<vmem>>
      %dma_wait3A_274 = arith.constant 0 : i32
      %dma_wait3A_275 = arith.constant 0 : i32
      %dma_wait3A_276 = tpu.memref_slice %arg2[%dma_wait3A_274, %dma_wait3A_275] : memref<160000x128xf32, #tpu.memory_space<hbm>> -> memref<128x128xf32, #tpu.memory_space<hbm>>
      tpu.wait_dma2 semaphore(%arg11 : memref<!tpu.dma_semaphore, #tpu.memory_space<semaphore_mem>>) src(%dma_wait3A_276 : memref<128x128xf32, #tpu.memory_space<hbm>>) dst(%dma_wait3A_273 : memref<128x128xf32, #tpu.memory_space<vmem>>)
      %run_scoped3A_277 = arith.constant 0 : i32
      %run_scoped3A_278 = arith.constant 0 : i32
      "tpu.region"() ({
        %run_scoped3A_279 = tpu.sem_alloc : memref<!tpu.dma_semaphore, #tpu.memory_space<semaphore_mem>>
        %dma_start3A_280 = arith.constant 0 : i32
        %dma_start3A_281 = arith.constant 0 : i32
        %dma_start3A_282 = tpu.memref_slice %arg8[%run_scoped3A_277, %dma_start3A_280, %dma_start3A_281] : memref<2x128x128xf32, #tpu.memory_space<vmem>> -> memref<1x128x128xf32, #tpu.memory_space<vmem>>
        %dma_start3A_283 = tpu.memref_squeeze %dma_start3A_282 : memref<1x128x128xf32, #tpu.memory_space<vmem>> -> memref<128x128xf32, #tpu.memory_space<vmem>>
        %dma_start3A_284 = arith.constant 0 : i32
        %dma_start3A_285 = tpu.memref_slice %arg9[%run_scoped3A_278, %dma_start3A_284] : memref<2x128xi32, #tpu.memory_space<vmem>> -> memref<1x128xi32, #tpu.memory_space<vmem>>
        %dma_start3A_286 = tpu.memref_squeeze %dma_start3A_285 : memref<1x128xi32, #tpu.memory_space<vmem>> -> memref<128xi32, #tpu.memory_space<vmem>>
        %dma_start3A_287 = arith.constant 0 : i32
        %dma_start3A_288 = arith.constant 0 : i32
        %dma_start3A_289 = tpu.memref_slice %arg10[%dma_start3A_287, %dma_start3A_288] : memref<10240x128xf32, #tpu.memory_space<vmem_shared>> -> memref<10240x128xf32, #tpu.memory_space<vmem_shared>>
        tpu.enqueue_indirect_dma source(%dma_start3A_283 : memref<128x128xf32, #tpu.memory_space<vmem>>) target(%dma_start3A_289 : memref<10240x128xf32, #tpu.memory_space<vmem_shared>>) offsets(%dma_start3A_286 : memref<128xi32, #tpu.memory_space<vmem>>) semaphore(%run_scoped3A_279 : memref<!tpu.dma_semaphore, #tpu.memory_space<semaphore_mem>>) {add = true}
        %dma_wait3A_290 = arith.constant 0 : i32
        %dma_wait3A_291 = arith.constant 0 : i32
        %dma_wait3A_292 = tpu.memref_slice %arg8[%run_scoped3A_277, %dma_wait3A_290, %dma_wait3A_291] : memref<2x128x128xf32, #tpu.memory_space<vmem>> -> memref<1x128x128xf32, #tpu.memory_space<vmem>>
        %dma_wait3A_293 = tpu.memref_squeeze %dma_wait3A_292 : memref<1x128x128xf32, #tpu.memory_space<vmem>> -> memref<128x128xf32, #tpu.memory_space<vmem>>
        %dma_wait3A_294 = arith.constant 0 : i32
        %dma_wait3A_295 = tpu.memref_slice %arg9[%run_scoped3A_278, %dma_wait3A_294] : memref<2x128xi32, #tpu.memory_space<vmem>> -> memref<1x128xi32, #tpu.memory_space<vmem>>
        %dma_wait3A_296 = tpu.memref_squeeze %dma_wait3A_295 : memref<1x128xi32, #tpu.memory_space<vmem>> -> memref<128xi32, #tpu.memory_space<vmem>>
        %dma_wait3A_297 = arith.constant 0 : i32
        %dma_wait3A_298 = arith.constant 0 : i32
        %dma_wait3A_299 = tpu.memref_slice %arg10[%dma_wait3A_297, %dma_wait3A_298] : memref<10240x128xf32, #tpu.memory_space<vmem_shared>> -> memref<10240x128xf32, #tpu.memory_space<vmem_shared>>
        tpu.wait_indirect_dma semaphore(%run_scoped3A_279 : memref<!tpu.dma_semaphore, #tpu.memory_space<semaphore_mem>>) src(%dma_wait3A_293 : memref<128x128xf32, #tpu.memory_space<vmem>>) dst(%dma_wait3A_299 : memref<10240x128xf32, #tpu.memory_space<vmem_shared>>)
        tpu.yield
      }) : () -> ()
    } else {
    }
    %eq3A_59 = arith.constant 1 : i32
    %eq3A_60 = arith.cmpi eq, %add3A, %eq3A_59 : i32
    %convert_element_type3A_61 = arith.extui %eq3A_60 : i1 to i32
    %cond3A_62 = arith.constant 0 : i32
    %cond3A_63 = arith.cmpi ne, %convert_element_type3A_61, %cond3A_62 : i32
    scf.if %cond3A_63 {
      %dma_start3A_225 = arith.constant 0 : i32
      %dma_start3A_226 = arith.constant 0 : i32
      %dma_start3A_227 = tpu.memref_slice %arg9[%dma_start3A_225, %dma_start3A_226] : memref<2x128xi32, #tpu.memory_space<vmem>> -> memref<1x128xi32, #tpu.memory_space<vmem>>
      %dma_start3A_228 = tpu.memref_squeeze %dma_start3A_227 : memref<1x128xi32, #tpu.memory_space<vmem>> -> memref<128xi32, #tpu.memory_space<vmem>>
      %dma_start3A_229 = arith.constant 159872 : i32
      %dma_start3A_230 = tpu.memref_slice %arg3[%dma_start3A_229] : memref<160000xi32, #tpu.memory_space<hbm>> -> memref<128xi32, #tpu.memory_space<hbm>>
      %dma_start3A_231 = arith.constant 0 : i32
      %dma_start3A_232 = tpu.memref_slice %arg9[%dma_start3A_225, %dma_start3A_231] : memref<2x128xi32, #tpu.memory_space<vmem>> -> memref<1x128xi32, #tpu.memory_space<vmem>>
      %dma_start3A_233 = tpu.memref_squeeze %dma_start3A_232 : memref<1x128xi32, #tpu.memory_space<vmem>> -> memref<128xi32, #tpu.memory_space<vmem>>
      %dma_start3A_234 = arith.constant 159872 : i32
      %dma_start3A_235 = tpu.memref_slice %arg3[%dma_start3A_234] : memref<160000xi32, #tpu.memory_space<hbm>> -> memref<128xi32, #tpu.memory_space<hbm>>
      tpu.enqueue_dma source(%dma_start3A_235 : memref<128xi32, #tpu.memory_space<hbm>>) target(%dma_start3A_233 : memref<128xi32, #tpu.memory_space<vmem>>) target_semaphore(%arg11 : memref<!tpu.dma_semaphore, #tpu.memory_space<semaphore_mem>>)
      %dma_start3A_236 = arith.constant 0 : i32
      %dma_start3A_237 = arith.constant 0 : i32
      %dma_start3A_238 = arith.constant 0 : i32
      %dma_start3A_239 = tpu.memref_slice %arg8[%dma_start3A_236, %dma_start3A_237, %dma_start3A_238] : memref<2x128x128xf32, #tpu.memory_space<vmem>> -> memref<1x128x128xf32, #tpu.memory_space<vmem>>
      %dma_start3A_240 = tpu.memref_squeeze %dma_start3A_239 : memref<1x128x128xf32, #tpu.memory_space<vmem>> -> memref<128x128xf32, #tpu.memory_space<vmem>>
      %dma_start3A_241 = arith.constant 159872 : i32
      %dma_start3A_242 = arith.constant 0 : i32
      %dma_start3A_243 = tpu.memref_slice %arg2[%dma_start3A_241, %dma_start3A_242] : memref<160000x128xf32, #tpu.memory_space<hbm>> -> memref<128x128xf32, #tpu.memory_space<hbm>>
      %dma_start3A_244 = arith.constant 0 : i32
      %dma_start3A_245 = arith.constant 0 : i32
      %dma_start3A_246 = tpu.memref_slice %arg8[%dma_start3A_236, %dma_start3A_244, %dma_start3A_245] : memref<2x128x128xf32, #tpu.memory_space<vmem>> -> memref<1x128x128xf32, #tpu.memory_space<vmem>>
      %dma_start3A_247 = tpu.memref_squeeze %dma_start3A_246 : memref<1x128x128xf32, #tpu.memory_space<vmem>> -> memref<128x128xf32, #tpu.memory_space<vmem>>
      %dma_start3A_248 = arith.constant 159872 : i32
      %dma_start3A_249 = arith.constant 0 : i32
      %dma_start3A_250 = tpu.memref_slice %arg2[%dma_start3A_248, %dma_start3A_249] : memref<160000x128xf32, #tpu.memory_space<hbm>> -> memref<128x128xf32, #tpu.memory_space<hbm>>
      tpu.enqueue_dma source(%dma_start3A_250 : memref<128x128xf32, #tpu.memory_space<hbm>>) target(%dma_start3A_247 : memref<128x128xf32, #tpu.memory_space<vmem>>) target_semaphore(%arg11 : memref<!tpu.dma_semaphore, #tpu.memory_space<semaphore_mem>>)
      %dma_wait3A_251 = arith.constant 0 : i32
      %dma_wait3A_252 = arith.constant 0 : i32
      %dma_wait3A_253 = tpu.memref_slice %arg9[%dma_wait3A_251, %dma_wait3A_252] : memref<2x128xi32, #tpu.memory_space<vmem>> -> memref<1x128xi32, #tpu.memory_space<vmem>>
      %dma_wait3A_254 = tpu.memref_squeeze %dma_wait3A_253 : memref<1x128xi32, #tpu.memory_space<vmem>> -> memref<128xi32, #tpu.memory_space<vmem>>
      %dma_wait3A_255 = arith.constant 0 : i32
      %dma_wait3A_256 = tpu.memref_slice %arg3[%dma_wait3A_255] : memref<160000xi32, #tpu.memory_space<hbm>> -> memref<128xi32, #tpu.memory_space<hbm>>
      %dma_wait3A_257 = arith.constant 0 : i32
      %dma_wait3A_258 = tpu.memref_slice %arg9[%dma_wait3A_251, %dma_wait3A_257] : memref<2x128xi32, #tpu.memory_space<vmem>> -> memref<1x128xi32, #tpu.memory_space<vmem>>
      %dma_wait3A_259 = tpu.memref_squeeze %dma_wait3A_258 : memref<1x128xi32, #tpu.memory_space<vmem>> -> memref<128xi32, #tpu.memory_space<vmem>>
      %dma_wait3A_260 = arith.constant 0 : i32
      %dma_wait3A_261 = tpu.memref_slice %arg3[%dma_wait3A_260] : memref<160000xi32, #tpu.memory_space<hbm>> -> memref<128xi32, #tpu.memory_space<hbm>>
      tpu.wait_dma2 semaphore(%arg11 : memref<!tpu.dma_semaphore, #tpu.memory_space<semaphore_mem>>) src(%dma_wait3A_261 : memref<128xi32, #tpu.memory_space<hbm>>) dst(%dma_wait3A_259 : memref<128xi32, #tpu.memory_space<vmem>>)
      %dma_wait3A_262 = arith.constant 0 : i32
      %dma_wait3A_263 = arith.constant 0 : i32
      %dma_wait3A_264 = arith.constant 0 : i32
      %dma_wait3A_265 = tpu.memref_slice %arg8[%dma_wait3A_262, %dma_wait3A_263, %dma_wait3A_264] : memref<2x128x128xf32, #tpu.memory_space<vmem>> -> memref<1x128x128xf32, #tpu.memory_space<vmem>>
      %dma_wait3A_266 = tpu.memref_squeeze %dma_wait3A_265 : memref<1x128x128xf32, #tpu.memory_space<vmem>> -> memref<128x128xf32, #tpu.memory_space<vmem>>
      %dma_wait3A_267 = arith.constant 0 : i32
      %dma_wait3A_268 = arith.constant 0 : i32
      %dma_wait3A_269 = tpu.memref_slice %arg2[%dma_wait3A_267, %dma_wait3A_268] : memref<160000x128xf32, #tpu.memory_space<hbm>> -> memref<128x128xf32, #tpu.memory_space<hbm>>
      %dma_wait3A_270 = arith.constant 0 : i32
      %dma_wait3A_271 = arith.constant 0 : i32
      %dma_wait3A_272 = tpu.memref_slice %arg8[%dma_wait3A_262, %dma_wait3A_270, %dma_wait3A_271] : memref<2x128x128xf32, #tpu.memory_space<vmem>> -> memref<1x128x128xf32, #tpu.memory_space<vmem>>
      %dma_wait3A_273 = tpu.memref_squeeze %dma_wait3A_272 : memref<1x128x128xf32, #tpu.memory_space<vmem>> -> memref<128x128xf32, #tpu.memory_space<vmem>>
      %dma_wait3A_274 = arith.constant 0 : i32
      %dma_wait3A_275 = arith.constant 0 : i32
      %dma_wait3A_276 = tpu.memref_slice %arg2[%dma_wait3A_274, %dma_wait3A_275] : memref<160000x128xf32, #tpu.memory_space<hbm>> -> memref<128x128xf32, #tpu.memory_space<hbm>>
      tpu.wait_dma2 semaphore(%arg11 : memref<!tpu.dma_semaphore, #tpu.memory_space<semaphore_mem>>) src(%dma_wait3A_276 : memref<128x128xf32, #tpu.memory_space<hbm>>) dst(%dma_wait3A_273 : memref<128x128xf32, #tpu.memory_space<vmem>>)
      %run_scoped3A_277 = arith.constant 0 : i32
      %run_scoped3A_278 = arith.constant 0 : i32
      "tpu.region"() ({
        %run_scoped3A_279 = tpu.sem_alloc : memref<!tpu.dma_semaphore, #tpu.memory_space<semaphore_mem>>
        %dma_start3A_280 = arith.constant 0 : i32
        %dma_start3A_281 = arith.constant 0 : i32
        %dma_start3A_282 = tpu.memref_slice %arg8[%run_scoped3A_277, %dma_start3A_280, %dma_start3A_281] : memref<2x128x128xf32, #tpu.memory_space<vmem>> -> memref<1x128x128xf32, #tpu.memory_space<vmem>>
        %dma_start3A_283 = tpu.memref_squeeze %dma_start3A_282 : memref<1x128x128xf32, #tpu.memory_space<vmem>> -> memref<128x128xf32, #tpu.memory_space<vmem>>
        %dma_start3A_284 = arith.constant 0 : i32
        %dma_start3A_285 = tpu.memref_slice %arg9[%run_scoped3A_278, %dma_start3A_284] : memref<2x128xi32, #tpu.memory_space<vmem>> -> memref<1x128xi32, #tpu.memory_space<vmem>>
        %dma_start3A_286 = tpu.memref_squeeze %dma_start3A_285 : memref<1x128xi32, #tpu.memory_space<vmem>> -> memref<128xi32, #tpu.memory_space<vmem>>
        %dma_start3A_287 = arith.constant 0 : i32
        %dma_start3A_288 = arith.constant 0 : i32
        %dma_start3A_289 = tpu.memref_slice %arg10[%dma_start3A_287, %dma_start3A_288] : memref<10240x128xf32, #tpu.memory_space<vmem_shared>> -> memref<10240x128xf32, #tpu.memory_space<vmem_shared>>
        tpu.enqueue_indirect_dma source(%dma_start3A_283 : memref<128x128xf32, #tpu.memory_space<vmem>>) target(%dma_start3A_289 : memref<10240x128xf32, #tpu.memory_space<vmem_shared>>) offsets(%dma_start3A_286 : memref<128xi32, #tpu.memory_space<vmem>>) semaphore(%run_scoped3A_279 : memref<!tpu.dma_semaphore, #tpu.memory_space<semaphore_mem>>) {add = true}
        %dma_wait3A_290 = arith.constant 0 : i32
        %dma_wait3A_291 = arith.constant 0 : i32
        %dma_wait3A_292 = tpu.memref_slice %arg8[%run_scoped3A_277, %dma_wait3A_290, %dma_wait3A_291] : memref<2x128x128xf32, #tpu.memory_space<vmem>> -> memref<1x128x128xf32, #tpu.memory_space<vmem>>
        %dma_wait3A_293 = tpu.memref_squeeze %dma_wait3A_292 : memref<1x128x128xf32, #tpu.memory_space<vmem>> -> memref<128x128xf32, #tpu.memory_space<vmem>>
        %dma_wait3A_294 = arith.constant 0 : i32
        %dma_wait3A_295 = tpu.memref_slice %arg9[%run_scoped3A_278, %dma_wait3A_294] : memref<2x128xi32, #tpu.memory_space<vmem>> -> memref<1x128xi32, #tpu.memory_space<vmem>>
        %dma_wait3A_296 = tpu.memref_squeeze %dma_wait3A_295 : memref<1x128xi32, #tpu.memory_space<vmem>> -> memref<128xi32, #tpu.memory_space<vmem>>
        %dma_wait3A_297 = arith.constant 0 : i32
        %dma_wait3A_298 = arith.constant 0 : i32
        %dma_wait3A_299 = tpu.memref_slice %arg10[%dma_wait3A_297, %dma_wait3A_298] : memref<10240x128xf32, #tpu.memory_space<vmem_shared>> -> memref<10240x128xf32, #tpu.memory_space<vmem_shared>>
        tpu.wait_indirect_dma semaphore(%run_scoped3A_279 : memref<!tpu.dma_semaphore, #tpu.memory_space<semaphore_mem>>) src(%dma_wait3A_293 : memref<128x128xf32, #tpu.memory_space<vmem>>) dst(%dma_wait3A_299 : memref<10240x128xf32, #tpu.memory_space<vmem_shared>>)
        tpu.yield
      }) : () -> ()
    } else {
    }
    %mul3A_64 = arith.constant 384 : i32
    %mul3A_65 = arith.muli %add3A, %mul3A_64 : i32
    %dma_start3A_66 = arith.constant 0 : i32
    %dma_start3A_67 = arith.constant 0 : i32
    %dma_start3A_68 = tpu.memref_slice %arg9[%dma_start3A_66, %dma_start3A_67] : memref<2x128xi32, #tpu.memory_space<vmem>> -> memref<1x128xi32, #tpu.memory_space<vmem>>
    %dma_start3A_69 = tpu.memref_squeeze %dma_start3A_68 : memref<1x128xi32, #tpu.memory_space<vmem>> -> memref<128xi32, #tpu.memory_space<vmem>>
    %dma_start3A_70 = tpu.memref_slice %arg5[%mul3A_65] : memref<12288xi32, #tpu.memory_space<hbm>> -> memref<128xi32, #tpu.memory_space<hbm>>
    %dma_start3A_71 = arith.constant 0 : i32
    %dma_start3A_72 = tpu.memref_slice %arg9[%dma_start3A_66, %dma_start3A_71] : memref<2x128xi32, #tpu.memory_space<vmem>> -> memref<1x128xi32, #tpu.memory_space<vmem>>
    %dma_start3A_73 = tpu.memref_squeeze %dma_start3A_72 : memref<1x128xi32, #tpu.memory_space<vmem>> -> memref<128xi32, #tpu.memory_space<vmem>>
    %dma_start3A_74 = tpu.memref_slice %arg5[%mul3A_65] : memref<12288xi32, #tpu.memory_space<hbm>> -> memref<128xi32, #tpu.memory_space<hbm>>
    tpu.enqueue_dma source(%dma_start3A_74 : memref<128xi32, #tpu.memory_space<hbm>>) target(%dma_start3A_73 : memref<128xi32, #tpu.memory_space<vmem>>) target_semaphore(%arg11 : memref<!tpu.dma_semaphore, #tpu.memory_space<semaphore_mem>>)
    %dma_start3A_75 = arith.constant 0 : i32
    %dma_start3A_76 = arith.constant 0 : i32
    %dma_start3A_77 = arith.constant 0 : i32
    %dma_start3A_78 = tpu.memref_slice %arg8[%dma_start3A_75, %dma_start3A_76, %dma_start3A_77] : memref<2x128x128xf32, #tpu.memory_space<vmem>> -> memref<1x128x128xf32, #tpu.memory_space<vmem>>
    %dma_start3A_79 = tpu.memref_squeeze %dma_start3A_78 : memref<1x128x128xf32, #tpu.memory_space<vmem>> -> memref<128x128xf32, #tpu.memory_space<vmem>>
    %dma_start3A_80 = arith.constant 0 : i32
    %dma_start3A_81 = tpu.memref_slice %arg4[%mul3A_65, %dma_start3A_80] : memref<12288x128xf32, #tpu.memory_space<hbm>> -> memref<128x128xf32, #tpu.memory_space<hbm>>
    %dma_start3A_82 = arith.constant 0 : i32
    %dma_start3A_83 = arith.constant 0 : i32
    %dma_start3A_84 = tpu.memref_slice %arg8[%dma_start3A_75, %dma_start3A_82, %dma_start3A_83] : memref<2x128x128xf32, #tpu.memory_space<vmem>> -> memref<1x128x128xf32, #tpu.memory_space<vmem>>
    %dma_start3A_85 = tpu.memref_squeeze %dma_start3A_84 : memref<1x128x128xf32, #tpu.memory_space<vmem>> -> memref<128x128xf32, #tpu.memory_space<vmem>>
    %dma_start3A_86 = arith.constant 0 : i32
    %dma_start3A_87 = tpu.memref_slice %arg4[%mul3A_65, %dma_start3A_86] : memref<12288x128xf32, #tpu.memory_space<hbm>> -> memref<128x128xf32, #tpu.memory_space<hbm>>
    tpu.enqueue_dma source(%dma_start3A_87 : memref<128x128xf32, #tpu.memory_space<hbm>>) target(%dma_start3A_85 : memref<128x128xf32, #tpu.memory_space<vmem>>) target_semaphore(%arg11 : memref<!tpu.dma_semaphore, #tpu.memory_space<semaphore_mem>>)
    %add3A_88 = arith.constant 128 : i32
    %add3A_89 = arith.addi %mul3A_65, %add3A_88 : i32
    %dma_start3A_90 = arith.constant 1 : i32
    %dma_start3A_91 = arith.constant 0 : i32
    %dma_start3A_92 = tpu.memref_slice %arg9[%dma_start3A_90, %dma_start3A_91] : memref<2x128xi32, #tpu.memory_space<vmem>> -> memref<1x128xi32, #tpu.memory_space<vmem>>
    %dma_start3A_93 = tpu.memref_squeeze %dma_start3A_92 : memref<1x128xi32, #tpu.memory_space<vmem>> -> memref<128xi32, #tpu.memory_space<vmem>>
    %dma_start3A_94 = tpu.memref_slice %arg5[%add3A_89] : memref<12288xi32, #tpu.memory_space<hbm>> -> memref<128xi32, #tpu.memory_space<hbm>>
    %dma_start3A_95 = arith.constant 0 : i32
    %dma_start3A_96 = tpu.memref_slice %arg9[%dma_start3A_90, %dma_start3A_95] : memref<2x128xi32, #tpu.memory_space<vmem>> -> memref<1x128xi32, #tpu.memory_space<vmem>>
    %dma_start3A_97 = tpu.memref_squeeze %dma_start3A_96 : memref<1x128xi32, #tpu.memory_space<vmem>> -> memref<128xi32, #tpu.memory_space<vmem>>
    %dma_start3A_98 = tpu.memref_slice %arg5[%add3A_89] : memref<12288xi32, #tpu.memory_space<hbm>> -> memref<128xi32, #tpu.memory_space<hbm>>
    tpu.enqueue_dma source(%dma_start3A_98 : memref<128xi32, #tpu.memory_space<hbm>>) target(%dma_start3A_97 : memref<128xi32, #tpu.memory_space<vmem>>) target_semaphore(%arg12 : memref<!tpu.dma_semaphore, #tpu.memory_space<semaphore_mem>>)
    %dma_start3A_99 = arith.constant 1 : i32
    %dma_start3A_100 = arith.constant 0 : i32
    %dma_start3A_101 = arith.constant 0 : i32
    %dma_start3A_102 = tpu.memref_slice %arg8[%dma_start3A_99, %dma_start3A_100, %dma_start3A_101] : memref<2x128x128xf32, #tpu.memory_space<vmem>> -> memref<1x128x128xf32, #tpu.memory_space<vmem>>
    %dma_start3A_103 = tpu.memref_squeeze %dma_start3A_102 : memref<1x128x128xf32, #tpu.memory_space<vmem>> -> memref<128x128xf32, #tpu.memory_space<vmem>>
    %dma_start3A_104 = arith.constant 0 : i32
    %dma_start3A_105 = tpu.memref_slice %arg4[%add3A_89, %dma_start3A_104] : memref<12288x128xf32, #tpu.memory_space<hbm>> -> memref<128x128xf32, #tpu.memory_space<hbm>>
    %dma_start3A_106 = arith.constant 0 : i32
    %dma_start3A_107 = arith.constant 0 : i32
    %dma_start3A_108 = tpu.memref_slice %arg8[%dma_start3A_99, %dma_start3A_106, %dma_start3A_107] : memref<2x128x128xf32, #tpu.memory_space<vmem>> -> memref<1x128x128xf32, #tpu.memory_space<vmem>>
    %dma_start3A_109 = tpu.memref_squeeze %dma_start3A_108 : memref<1x128x128xf32, #tpu.memory_space<vmem>> -> memref<128x128xf32, #tpu.memory_space<vmem>>
    %dma_start3A_110 = arith.constant 0 : i32
    %dma_start3A_111 = tpu.memref_slice %arg4[%add3A_89, %dma_start3A_110] : memref<12288x128xf32, #tpu.memory_space<hbm>> -> memref<128x128xf32, #tpu.memory_space<hbm>>
    tpu.enqueue_dma source(%dma_start3A_111 : memref<128x128xf32, #tpu.memory_space<hbm>>) target(%dma_start3A_109 : memref<128x128xf32, #tpu.memory_space<vmem>>) target_semaphore(%arg12 : memref<!tpu.dma_semaphore, #tpu.memory_space<semaphore_mem>>)
    %dma_wait3A_112 = arith.constant 0 : i32
    %dma_wait3A_113 = arith.constant 0 : i32
    %dma_wait3A_114 = tpu.memref_slice %arg9[%dma_wait3A_112, %dma_wait3A_113] : memref<2x128xi32, #tpu.memory_space<vmem>> -> memref<1x128xi32, #tpu.memory_space<vmem>>
    %dma_wait3A_115 = tpu.memref_squeeze %dma_wait3A_114 : memref<1x128xi32, #tpu.memory_space<vmem>> -> memref<128xi32, #tpu.memory_space<vmem>>
    %dma_wait3A_116 = arith.constant 0 : i32
    %dma_wait3A_117 = tpu.memref_slice %arg3[%dma_wait3A_116] : memref<160000xi32, #tpu.memory_space<hbm>> -> memref<128xi32, #tpu.memory_space<hbm>>
    %dma_wait3A_118 = arith.constant 0 : i32
    %dma_wait3A_119 = tpu.memref_slice %arg9[%dma_wait3A_112, %dma_wait3A_118] : memref<2x128xi32, #tpu.memory_space<vmem>> -> memref<1x128xi32, #tpu.memory_space<vmem>>
    %dma_wait3A_120 = tpu.memref_squeeze %dma_wait3A_119 : memref<1x128xi32, #tpu.memory_space<vmem>> -> memref<128xi32, #tpu.memory_space<vmem>>
    %dma_wait3A_121 = arith.constant 0 : i32
    %dma_wait3A_122 = tpu.memref_slice %arg3[%dma_wait3A_121] : memref<160000xi32, #tpu.memory_space<hbm>> -> memref<128xi32, #tpu.memory_space<hbm>>
    tpu.wait_dma2 semaphore(%arg11 : memref<!tpu.dma_semaphore, #tpu.memory_space<semaphore_mem>>) src(%dma_wait3A_122 : memref<128xi32, #tpu.memory_space<hbm>>) dst(%dma_wait3A_120 : memref<128xi32, #tpu.memory_space<vmem>>)
    %dma_wait3A_123 = arith.constant 0 : i32
    %dma_wait3A_124 = arith.constant 0 : i32
    %dma_wait3A_125 = arith.constant 0 : i32
    %dma_wait3A_126 = tpu.memref_slice %arg8[%dma_wait3A_123, %dma_wait3A_124, %dma_wait3A_125] : memref<2x128x128xf32, #tpu.memory_space<vmem>> -> memref<1x128x128xf32, #tpu.memory_space<vmem>>
    %dma_wait3A_127 = tpu.memref_squeeze %dma_wait3A_126 : memref<1x128x128xf32, #tpu.memory_space<vmem>> -> memref<128x128xf32, #tpu.memory_space<vmem>>
    %dma_wait3A_128 = arith.constant 0 : i32
    %dma_wait3A_129 = arith.constant 0 : i32
    %dma_wait3A_130 = tpu.memref_slice %arg2[%dma_wait3A_128, %dma_wait3A_129] : memref<160000x128xf32, #tpu.memory_space<hbm>> -> memref<128x128xf32, #tpu.memory_space<hbm>>
    %dma_wait3A_131 = arith.constant 0 : i32
    %dma_wait3A_132 = arith.constant 0 : i32
    %dma_wait3A_133 = tpu.memref_slice %arg8[%dma_wait3A_123, %dma_wait3A_131, %dma_wait3A_132] : memref<2x128x128xf32, #tpu.memory_space<vmem>> -> memref<1x128x128xf32, #tpu.memory_space<vmem>>
    %dma_wait3A_134 = tpu.memref_squeeze %dma_wait3A_133 : memref<1x128x128xf32, #tpu.memory_space<vmem>> -> memref<128x128xf32, #tpu.memory_space<vmem>>
    %dma_wait3A_135 = arith.constant 0 : i32
    %dma_wait3A_136 = arith.constant 0 : i32
    %dma_wait3A_137 = tpu.memref_slice %arg2[%dma_wait3A_135, %dma_wait3A_136] : memref<160000x128xf32, #tpu.memory_space<hbm>> -> memref<128x128xf32, #tpu.memory_space<hbm>>
    tpu.wait_dma2 semaphore(%arg11 : memref<!tpu.dma_semaphore, #tpu.memory_space<semaphore_mem>>) src(%dma_wait3A_137 : memref<128x128xf32, #tpu.memory_space<hbm>>) dst(%dma_wait3A_134 : memref<128x128xf32, #tpu.memory_space<vmem>>)
    %run_scoped3A_138 = arith.constant 0 : i32
    %run_scoped3A_139 = arith.constant 0 : i32
    "tpu.region"() ({
      %run_scoped3A_225 = tpu.sem_alloc : memref<!tpu.dma_semaphore, #tpu.memory_space<semaphore_mem>>
      %dma_start3A_226 = arith.constant 0 : i32
      %dma_start3A_227 = arith.constant 0 : i32
      %dma_start3A_228 = tpu.memref_slice %arg8[%run_scoped3A_138, %dma_start3A_226, %dma_start3A_227] : memref<2x128x128xf32, #tpu.memory_space<vmem>> -> memref<1x128x128xf32, #tpu.memory_space<vmem>>
      %dma_start3A_229 = tpu.memref_squeeze %dma_start3A_228 : memref<1x128x128xf32, #tpu.memory_space<vmem>> -> memref<128x128xf32, #tpu.memory_space<vmem>>
      %dma_start3A_230 = arith.constant 0 : i32
      %dma_start3A_231 = tpu.memref_slice %arg9[%run_scoped3A_139, %dma_start3A_230] : memref<2x128xi32, #tpu.memory_space<vmem>> -> memref<1x128xi32, #tpu.memory_space<vmem>>
      %dma_start3A_232 = tpu.memref_squeeze %dma_start3A_231 : memref<1x128xi32, #tpu.memory_space<vmem>> -> memref<128xi32, #tpu.memory_space<vmem>>
      %dma_start3A_233 = arith.constant 0 : i32
      %dma_start3A_234 = arith.constant 0 : i32
      %dma_start3A_235 = tpu.memref_slice %arg10[%dma_start3A_233, %dma_start3A_234] : memref<10240x128xf32, #tpu.memory_space<vmem_shared>> -> memref<10240x128xf32, #tpu.memory_space<vmem_shared>>
      tpu.enqueue_indirect_dma source(%dma_start3A_229 : memref<128x128xf32, #tpu.memory_space<vmem>>) target(%dma_start3A_235 : memref<10240x128xf32, #tpu.memory_space<vmem_shared>>) offsets(%dma_start3A_232 : memref<128xi32, #tpu.memory_space<vmem>>) semaphore(%run_scoped3A_225 : memref<!tpu.dma_semaphore, #tpu.memory_space<semaphore_mem>>) {add = true}
      %dma_wait3A_236 = arith.constant 0 : i32
      %dma_wait3A_237 = arith.constant 0 : i32
      %dma_wait3A_238 = tpu.memref_slice %arg8[%run_scoped3A_138, %dma_wait3A_236, %dma_wait3A_237] : memref<2x128x128xf32, #tpu.memory_space<vmem>> -> memref<1x128x128xf32, #tpu.memory_space<vmem>>
      %dma_wait3A_239 = tpu.memref_squeeze %dma_wait3A_238 : memref<1x128x128xf32, #tpu.memory_space<vmem>> -> memref<128x128xf32, #tpu.memory_space<vmem>>
      %dma_wait3A_240 = arith.constant 0 : i32
      %dma_wait3A_241 = tpu.memref_slice %arg9[%run_scoped3A_139, %dma_wait3A_240] : memref<2x128xi32, #tpu.memory_space<vmem>> -> memref<1x128xi32, #tpu.memory_space<vmem>>
      %dma_wait3A_242 = tpu.memref_squeeze %dma_wait3A_241 : memref<1x128xi32, #tpu.memory_space<vmem>> -> memref<128xi32, #tpu.memory_space<vmem>>
      %dma_wait3A_243 = arith.constant 0 : i32
      %dma_wait3A_244 = arith.constant 0 : i32
      %dma_wait3A_245 = tpu.memref_slice %arg10[%dma_wait3A_243, %dma_wait3A_244] : memref<10240x128xf32, #tpu.memory_space<vmem_shared>> -> memref<10240x128xf32, #tpu.memory_space<vmem_shared>>
      tpu.wait_indirect_dma semaphore(%run_scoped3A_225 : memref<!tpu.dma_semaphore, #tpu.memory_space<semaphore_mem>>) src(%dma_wait3A_239 : memref<128x128xf32, #tpu.memory_space<vmem>>) dst(%dma_wait3A_245 : memref<10240x128xf32, #tpu.memory_space<vmem_shared>>)
      tpu.yield
    }) : () -> ()
    %add3A_140 = arith.constant 256 : i32
    %add3A_141 = arith.addi %mul3A_65, %add3A_140 : i32
    %dma_start3A_142 = arith.constant 0 : i32
    %dma_start3A_143 = arith.constant 0 : i32
    %dma_start3A_144 = tpu.memref_slice %arg9[%dma_start3A_142, %dma_start3A_143] : memref<2x128xi32, #tpu.memory_space<vmem>> -> memref<1x128xi32, #tpu.memory_space<vmem>>
    %dma_start3A_145 = tpu.memref_squeeze %dma_start3A_144 : memref<1x128xi32, #tpu.memory_space<vmem>> -> memref<128xi32, #tpu.memory_space<vmem>>
    %dma_start3A_146 = tpu.memref_slice %arg5[%add3A_141] : memref<12288xi32, #tpu.memory_space<hbm>> -> memref<128xi32, #tpu.memory_space<hbm>>
    %dma_start3A_147 = arith.constant 0 : i32
    %dma_start3A_148 = tpu.memref_slice %arg9[%dma_start3A_142, %dma_start3A_147] : memref<2x128xi32, #tpu.memory_space<vmem>> -> memref<1x128xi32, #tpu.memory_space<vmem>>
    %dma_start3A_149 = tpu.memref_squeeze %dma_start3A_148 : memref<1x128xi32, #tpu.memory_space<vmem>> -> memref<128xi32, #tpu.memory_space<vmem>>
    %dma_start3A_150 = tpu.memref_slice %arg5[%add3A_141] : memref<12288xi32, #tpu.memory_space<hbm>> -> memref<128xi32, #tpu.memory_space<hbm>>
    tpu.enqueue_dma source(%dma_start3A_150 : memref<128xi32, #tpu.memory_space<hbm>>) target(%dma_start3A_149 : memref<128xi32, #tpu.memory_space<vmem>>) target_semaphore(%arg11 : memref<!tpu.dma_semaphore, #tpu.memory_space<semaphore_mem>>)
    %dma_start3A_151 = arith.constant 0 : i32
    %dma_start3A_152 = arith.constant 0 : i32
    %dma_start3A_153 = arith.constant 0 : i32
    %dma_start3A_154 = tpu.memref_slice %arg8[%dma_start3A_151, %dma_start3A_152, %dma_start3A_153] : memref<2x128x128xf32, #tpu.memory_space<vmem>> -> memref<1x128x128xf32, #tpu.memory_space<vmem>>
    %dma_start3A_155 = tpu.memref_squeeze %dma_start3A_154 : memref<1x128x128xf32, #tpu.memory_space<vmem>> -> memref<128x128xf32, #tpu.memory_space<vmem>>
    %dma_start3A_156 = arith.constant 0 : i32
    %dma_start3A_157 = tpu.memref_slice %arg4[%add3A_141, %dma_start3A_156] : memref<12288x128xf32, #tpu.memory_space<hbm>> -> memref<128x128xf32, #tpu.memory_space<hbm>>
    %dma_start3A_158 = arith.constant 0 : i32
    %dma_start3A_159 = arith.constant 0 : i32
    %dma_start3A_160 = tpu.memref_slice %arg8[%dma_start3A_151, %dma_start3A_158, %dma_start3A_159] : memref<2x128x128xf32, #tpu.memory_space<vmem>> -> memref<1x128x128xf32, #tpu.memory_space<vmem>>
    %dma_start3A_161 = tpu.memref_squeeze %dma_start3A_160 : memref<1x128x128xf32, #tpu.memory_space<vmem>> -> memref<128x128xf32, #tpu.memory_space<vmem>>
    %dma_start3A_162 = arith.constant 0 : i32
    %dma_start3A_163 = tpu.memref_slice %arg4[%add3A_141, %dma_start3A_162] : memref<12288x128xf32, #tpu.memory_space<hbm>> -> memref<128x128xf32, #tpu.memory_space<hbm>>
    tpu.enqueue_dma source(%dma_start3A_163 : memref<128x128xf32, #tpu.memory_space<hbm>>) target(%dma_start3A_161 : memref<128x128xf32, #tpu.memory_space<vmem>>) target_semaphore(%arg11 : memref<!tpu.dma_semaphore, #tpu.memory_space<semaphore_mem>>)
    %dma_wait3A_164 = arith.constant 1 : i32
    %dma_wait3A_165 = arith.constant 0 : i32
    %dma_wait3A_166 = tpu.memref_slice %arg9[%dma_wait3A_164, %dma_wait3A_165] : memref<2x128xi32, #tpu.memory_space<vmem>> -> memref<1x128xi32, #tpu.memory_space<vmem>>
    %dma_wait3A_167 = tpu.memref_squeeze %dma_wait3A_166 : memref<1x128xi32, #tpu.memory_space<vmem>> -> memref<128xi32, #tpu.memory_space<vmem>>
    %dma_wait3A_168 = arith.constant 0 : i32
    %dma_wait3A_169 = tpu.memref_slice %arg3[%dma_wait3A_168] : memref<160000xi32, #tpu.memory_space<hbm>> -> memref<128xi32, #tpu.memory_space<hbm>>
    %dma_wait3A_170 = arith.constant 0 : i32
    %dma_wait3A_171 = tpu.memref_slice %arg9[%dma_wait3A_164, %dma_wait3A_170] : memref<2x128xi32, #tpu.memory_space<vmem>> -> memref<1x128xi32, #tpu.memory_space<vmem>>
    %dma_wait3A_172 = tpu.memref_squeeze %dma_wait3A_171 : memref<1x128xi32, #tpu.memory_space<vmem>> -> memref<128xi32, #tpu.memory_space<vmem>>
    %dma_wait3A_173 = arith.constant 0 : i32
    %dma_wait3A_174 = tpu.memref_slice %arg3[%dma_wait3A_173] : memref<160000xi32, #tpu.memory_space<hbm>> -> memref<128xi32, #tpu.memory_space<hbm>>
    tpu.wait_dma2 semaphore(%arg12 : memref<!tpu.dma_semaphore, #tpu.memory_space<semaphore_mem>>) src(%dma_wait3A_174 : memref<128xi32, #tpu.memory_space<hbm>>) dst(%dma_wait3A_172 : memref<128xi32, #tpu.memory_space<vmem>>)
    %dma_wait3A_175 = arith.constant 1 : i32
    %dma_wait3A_176 = arith.constant 0 : i32
    %dma_wait3A_177 = arith.constant 0 : i32
    %dma_wait3A_178 = tpu.memref_slice %arg8[%dma_wait3A_175, %dma_wait3A_176, %dma_wait3A_177] : memref<2x128x128xf32, #tpu.memory_space<vmem>> -> memref<1x128x128xf32, #tpu.memory_space<vmem>>
    %dma_wait3A_179 = tpu.memref_squeeze %dma_wait3A_178 : memref<1x128x128xf32, #tpu.memory_space<vmem>> -> memref<128x128xf32, #tpu.memory_space<vmem>>
    %dma_wait3A_180 = arith.constant 0 : i32
    %dma_wait3A_181 = arith.constant 0 : i32
    %dma_wait3A_182 = tpu.memref_slice %arg2[%dma_wait3A_180, %dma_wait3A_181] : memref<160000x128xf32, #tpu.memory_space<hbm>> -> memref<128x128xf32, #tpu.memory_space<hbm>>
    %dma_wait3A_183 = arith.constant 0 : i32
    %dma_wait3A_184 = arith.constant 0 : i32
    %dma_wait3A_185 = tpu.memref_slice %arg8[%dma_wait3A_175, %dma_wait3A_183, %dma_wait3A_184] : memref<2x128x128xf32, #tpu.memory_space<vmem>> -> memref<1x128x128xf32, #tpu.memory_space<vmem>>
    %dma_wait3A_186 = tpu.memref_squeeze %dma_wait3A_185 : memref<1x128x128xf32, #tpu.memory_space<vmem>> -> memref<128x128xf32, #tpu.memory_space<vmem>>
    %dma_wait3A_187 = arith.constant 0 : i32
    %dma_wait3A_188 = arith.constant 0 : i32
    %dma_wait3A_189 = tpu.memref_slice %arg2[%dma_wait3A_187, %dma_wait3A_188] : memref<160000x128xf32, #tpu.memory_space<hbm>> -> memref<128x128xf32, #tpu.memory_space<hbm>>
    tpu.wait_dma2 semaphore(%arg12 : memref<!tpu.dma_semaphore, #tpu.memory_space<semaphore_mem>>) src(%dma_wait3A_189 : memref<128x128xf32, #tpu.memory_space<hbm>>) dst(%dma_wait3A_186 : memref<128x128xf32, #tpu.memory_space<vmem>>)
    %run_scoped3A_190 = arith.constant 1 : i32
    %run_scoped3A_191 = arith.constant 1 : i32
    "tpu.region"() ({
      %run_scoped3A_225 = tpu.sem_alloc : memref<!tpu.dma_semaphore, #tpu.memory_space<semaphore_mem>>
      %dma_start3A_226 = arith.constant 0 : i32
      %dma_start3A_227 = arith.constant 0 : i32
      %dma_start3A_228 = tpu.memref_slice %arg8[%run_scoped3A_190, %dma_start3A_226, %dma_start3A_227] : memref<2x128x128xf32, #tpu.memory_space<vmem>> -> memref<1x128x128xf32, #tpu.memory_space<vmem>>
      %dma_start3A_229 = tpu.memref_squeeze %dma_start3A_228 : memref<1x128x128xf32, #tpu.memory_space<vmem>> -> memref<128x128xf32, #tpu.memory_space<vmem>>
      %dma_start3A_230 = arith.constant 0 : i32
      %dma_start3A_231 = tpu.memref_slice %arg9[%run_scoped3A_191, %dma_start3A_230] : memref<2x128xi32, #tpu.memory_space<vmem>> -> memref<1x128xi32, #tpu.memory_space<vmem>>
      %dma_start3A_232 = tpu.memref_squeeze %dma_start3A_231 : memref<1x128xi32, #tpu.memory_space<vmem>> -> memref<128xi32, #tpu.memory_space<vmem>>
      %dma_start3A_233 = arith.constant 0 : i32
      %dma_start3A_234 = arith.constant 0 : i32
      %dma_start3A_235 = tpu.memref_slice %arg10[%dma_start3A_233, %dma_start3A_234] : memref<10240x128xf32, #tpu.memory_space<vmem_shared>> -> memref<10240x128xf32, #tpu.memory_space<vmem_shared>>
      tpu.enqueue_indirect_dma source(%dma_start3A_229 : memref<128x128xf32, #tpu.memory_space<vmem>>) target(%dma_start3A_235 : memref<10240x128xf32, #tpu.memory_space<vmem_shared>>) offsets(%dma_start3A_232 : memref<128xi32, #tpu.memory_space<vmem>>) semaphore(%run_scoped3A_225 : memref<!tpu.dma_semaphore, #tpu.memory_space<semaphore_mem>>) {add = true}
      %dma_wait3A_236 = arith.constant 0 : i32
      %dma_wait3A_237 = arith.constant 0 : i32
      %dma_wait3A_238 = tpu.memref_slice %arg8[%run_scoped3A_190, %dma_wait3A_236, %dma_wait3A_237] : memref<2x128x128xf32, #tpu.memory_space<vmem>> -> memref<1x128x128xf32, #tpu.memory_space<vmem>>
      %dma_wait3A_239 = tpu.memref_squeeze %dma_wait3A_238 : memref<1x128x128xf32, #tpu.memory_space<vmem>> -> memref<128x128xf32, #tpu.memory_space<vmem>>
      %dma_wait3A_240 = arith.constant 0 : i32
      %dma_wait3A_241 = tpu.memref_slice %arg9[%run_scoped3A_191, %dma_wait3A_240] : memref<2x128xi32, #tpu.memory_space<vmem>> -> memref<1x128xi32, #tpu.memory_space<vmem>>
      %dma_wait3A_242 = tpu.memref_squeeze %dma_wait3A_241 : memref<1x128xi32, #tpu.memory_space<vmem>> -> memref<128xi32, #tpu.memory_space<vmem>>
      %dma_wait3A_243 = arith.constant 0 : i32
      %dma_wait3A_244 = arith.constant 0 : i32
      %dma_wait3A_245 = tpu.memref_slice %arg10[%dma_wait3A_243, %dma_wait3A_244] : memref<10240x128xf32, #tpu.memory_space<vmem_shared>> -> memref<10240x128xf32, #tpu.memory_space<vmem_shared>>
      tpu.wait_indirect_dma semaphore(%run_scoped3A_225 : memref<!tpu.dma_semaphore, #tpu.memory_space<semaphore_mem>>) src(%dma_wait3A_239 : memref<128x128xf32, #tpu.memory_space<vmem>>) dst(%dma_wait3A_245 : memref<10240x128xf32, #tpu.memory_space<vmem_shared>>)
      tpu.yield
    }) : () -> ()
    %dma_wait3A_192 = arith.constant 0 : i32
    %dma_wait3A_193 = arith.constant 0 : i32
    %dma_wait3A_194 = tpu.memref_slice %arg9[%dma_wait3A_192, %dma_wait3A_193] : memref<2x128xi32, #tpu.memory_space<vmem>> -> memref<1x128xi32, #tpu.memory_space<vmem>>
    %dma_wait3A_195 = tpu.memref_squeeze %dma_wait3A_194 : memref<1x128xi32, #tpu.memory_space<vmem>> -> memref<128xi32, #tpu.memory_space<vmem>>
    %dma_wait3A_196 = arith.constant 0 : i32
    %dma_wait3A_197 = tpu.memref_slice %arg3[%dma_wait3A_196] : memref<160000xi32, #tpu.memory_space<hbm>> -> memref<128xi32, #tpu.memory_space<hbm>>
    %dma_wait3A_198 = arith.constant 0 : i32
    %dma_wait3A_199 = tpu.memref_slice %arg9[%dma_wait3A_192, %dma_wait3A_198] : memref<2x128xi32, #tpu.memory_space<vmem>> -> memref<1x128xi32, #tpu.memory_space<vmem>>
    %dma_wait3A_200 = tpu.memref_squeeze %dma_wait3A_199 : memref<1x128xi32, #tpu.memory_space<vmem>> -> memref<128xi32, #tpu.memory_space<vmem>>
    %dma_wait3A_201 = arith.constant 0 : i32
    %dma_wait3A_202 = tpu.memref_slice %arg3[%dma_wait3A_201] : memref<160000xi32, #tpu.memory_space<hbm>> -> memref<128xi32, #tpu.memory_space<hbm>>
    tpu.wait_dma2 semaphore(%arg11 : memref<!tpu.dma_semaphore, #tpu.memory_space<semaphore_mem>>) src(%dma_wait3A_202 : memref<128xi32, #tpu.memory_space<hbm>>) dst(%dma_wait3A_200 : memref<128xi32, #tpu.memory_space<vmem>>)
    %dma_wait3A_203 = arith.constant 0 : i32
    %dma_wait3A_204 = arith.constant 0 : i32
    %dma_wait3A_205 = arith.constant 0 : i32
    %dma_wait3A_206 = tpu.memref_slice %arg8[%dma_wait3A_203, %dma_wait3A_204, %dma_wait3A_205] : memref<2x128x128xf32, #tpu.memory_space<vmem>> -> memref<1x128x128xf32, #tpu.memory_space<vmem>>
    %dma_wait3A_207 = tpu.memref_squeeze %dma_wait3A_206 : memref<1x128x128xf32, #tpu.memory_space<vmem>> -> memref<128x128xf32, #tpu.memory_space<vmem>>
    %dma_wait3A_208 = arith.constant 0 : i32
    %dma_wait3A_209 = arith.constant 0 : i32
    %dma_wait3A_210 = tpu.memref_slice %arg2[%dma_wait3A_208, %dma_wait3A_209] : memref<160000x128xf32, #tpu.memory_space<hbm>> -> memref<128x128xf32, #tpu.memory_space<hbm>>
    %dma_wait3A_211 = arith.constant 0 : i32
    %dma_wait3A_212 = arith.constant 0 : i32
    %dma_wait3A_213 = tpu.memref_slice %arg8[%dma_wait3A_203, %dma_wait3A_211, %dma_wait3A_212] : memref<2x128x128xf32, #tpu.memory_space<vmem>> -> memref<1x128x128xf32, #tpu.memory_space<vmem>>
    %dma_wait3A_214 = tpu.memref_squeeze %dma_wait3A_213 : memref<1x128x128xf32, #tpu.memory_space<vmem>> -> memref<128x128xf32, #tpu.memory_space<vmem>>
    %dma_wait3A_215 = arith.constant 0 : i32
    %dma_wait3A_216 = arith.constant 0 : i32
    %dma_wait3A_217 = tpu.memref_slice %arg2[%dma_wait3A_215, %dma_wait3A_216] : memref<160000x128xf32, #tpu.memory_space<hbm>> -> memref<128x128xf32, #tpu.memory_space<hbm>>
    tpu.wait_dma2 semaphore(%arg11 : memref<!tpu.dma_semaphore, #tpu.memory_space<semaphore_mem>>) src(%dma_wait3A_217 : memref<128x128xf32, #tpu.memory_space<hbm>>) dst(%dma_wait3A_214 : memref<128x128xf32, #tpu.memory_space<vmem>>)
    %run_scoped3A_218 = arith.constant 0 : i32
    %run_scoped3A_219 = arith.constant 0 : i32
    "tpu.region"() ({
      %run_scoped3A_225 = tpu.sem_alloc : memref<!tpu.dma_semaphore, #tpu.memory_space<semaphore_mem>>
      %dma_start3A_226 = arith.constant 0 : i32
      %dma_start3A_227 = arith.constant 0 : i32
      %dma_start3A_228 = tpu.memref_slice %arg8[%run_scoped3A_218, %dma_start3A_226, %dma_start3A_227] : memref<2x128x128xf32, #tpu.memory_space<vmem>> -> memref<1x128x128xf32, #tpu.memory_space<vmem>>
      %dma_start3A_229 = tpu.memref_squeeze %dma_start3A_228 : memref<1x128x128xf32, #tpu.memory_space<vmem>> -> memref<128x128xf32, #tpu.memory_space<vmem>>
      %dma_start3A_230 = arith.constant 0 : i32
      %dma_start3A_231 = tpu.memref_slice %arg9[%run_scoped3A_219, %dma_start3A_230] : memref<2x128xi32, #tpu.memory_space<vmem>> -> memref<1x128xi32, #tpu.memory_space<vmem>>
      %dma_start3A_232 = tpu.memref_squeeze %dma_start3A_231 : memref<1x128xi32, #tpu.memory_space<vmem>> -> memref<128xi32, #tpu.memory_space<vmem>>
      %dma_start3A_233 = arith.constant 0 : i32
      %dma_start3A_234 = arith.constant 0 : i32
      %dma_start3A_235 = tpu.memref_slice %arg10[%dma_start3A_233, %dma_start3A_234] : memref<10240x128xf32, #tpu.memory_space<vmem_shared>> -> memref<10240x128xf32, #tpu.memory_space<vmem_shared>>
      tpu.enqueue_indirect_dma source(%dma_start3A_229 : memref<128x128xf32, #tpu.memory_space<vmem>>) target(%dma_start3A_235 : memref<10240x128xf32, #tpu.memory_space<vmem_shared>>) offsets(%dma_start3A_232 : memref<128xi32, #tpu.memory_space<vmem>>) semaphore(%run_scoped3A_225 : memref<!tpu.dma_semaphore, #tpu.memory_space<semaphore_mem>>) {add = true}
      %dma_wait3A_236 = arith.constant 0 : i32
      %dma_wait3A_237 = arith.constant 0 : i32
      %dma_wait3A_238 = tpu.memref_slice %arg8[%run_scoped3A_218, %dma_wait3A_236, %dma_wait3A_237] : memref<2x128x128xf32, #tpu.memory_space<vmem>> -> memref<1x128x128xf32, #tpu.memory_space<vmem>>
      %dma_wait3A_239 = tpu.memref_squeeze %dma_wait3A_238 : memref<1x128x128xf32, #tpu.memory_space<vmem>> -> memref<128x128xf32, #tpu.memory_space<vmem>>
      %dma_wait3A_240 = arith.constant 0 : i32
      %dma_wait3A_241 = tpu.memref_slice %arg9[%run_scoped3A_219, %dma_wait3A_240] : memref<2x128xi32, #tpu.memory_space<vmem>> -> memref<1x128xi32, #tpu.memory_space<vmem>>
      %dma_wait3A_242 = tpu.memref_squeeze %dma_wait3A_241 : memref<1x128xi32, #tpu.memory_space<vmem>> -> memref<128xi32, #tpu.memory_space<vmem>>
      %dma_wait3A_243 = arith.constant 0 : i32
      %dma_wait3A_244 = arith.constant 0 : i32
      %dma_wait3A_245 = tpu.memref_slice %arg10[%dma_wait3A_243, %dma_wait3A_244] : memref<10240x128xf32, #tpu.memory_space<vmem_shared>> -> memref<10240x128xf32, #tpu.memory_space<vmem_shared>>
      tpu.wait_indirect_dma semaphore(%run_scoped3A_225 : memref<!tpu.dma_semaphore, #tpu.memory_space<semaphore_mem>>) src(%dma_wait3A_239 : memref<128x128xf32, #tpu.memory_space<vmem>>) dst(%dma_wait3A_245 : memref<10240x128xf32, #tpu.memory_space<vmem_shared>>)
      tpu.yield
    }) : () -> ()
    %barrier3A_220 = arith.constant 0 : index
    tpu.barrier barrier_id(%barrier3A_220)
    %mul3A_221 = arith.constant 640 : i32
    %mul3A_222 = arith.muli %arg1, %mul3A_221 : i32
    %mul3A_223 = arith.constant 640 : i32
    %mul3A_224 = arith.muli %arg1, %mul3A_223 : i32
    "tpu.region"() ({
      %run_scoped3A_225 = tpu.sem_alloc : memref<!tpu.dma_semaphore, #tpu.memory_space<semaphore_mem>>
      %dma_start3A_226 = arith.constant 0 : i32
      %dma_start3A_227 = tpu.memref_slice %arg7[%arg0, %mul3A_224, %dma_start3A_226] : memref<2x10240x128xf32, #tpu.memory_space<hbm>> -> memref<1x640x128xf32, #tpu.memory_space<hbm>>
      %dma_start3A_228 = tpu.memref_squeeze %dma_start3A_227 : memref<1x640x128xf32, #tpu.memory_space<hbm>> -> memref<640x128xf32, #tpu.memory_space<hbm>>
      %dma_start3A_229 = arith.constant 0 : i32
      %dma_start3A_230 = tpu.memref_slice %arg10[%mul3A_222, %dma_start3A_229] : memref<10240x128xf32, #tpu.memory_space<vmem_shared>> -> memref<640x128xf32, #tpu.memory_space<vmem_shared>>
      tpu.enqueue_dma source(%dma_start3A_230 : memref<640x128xf32, #tpu.memory_space<vmem_shared>>) target(%dma_start3A_228 : memref<640x128xf32, #tpu.memory_space<hbm>>) target_semaphore(%run_scoped3A_225 : memref<!tpu.dma_semaphore, #tpu.memory_space<semaphore_mem>>)
      %dma_wait3A_231 = arith.constant 0 : i32
      %dma_wait3A_232 = tpu.memref_slice %arg7[%arg0, %mul3A_224, %dma_wait3A_231] : memref<2x10240x128xf32, #tpu.memory_space<hbm>> -> memref<1x640x128xf32, #tpu.memory_space<hbm>>
      %dma_wait3A_233 = tpu.memref_squeeze %dma_wait3A_232 : memref<1x640x128xf32, #tpu.memory_space<hbm>> -> memref<640x128xf32, #tpu.memory_space<hbm>>
      %dma_wait3A_234 = arith.constant 0 : i32
      %dma_wait3A_235 = tpu.memref_slice %arg10[%mul3A_222, %dma_wait3A_234] : memref<10240x128xf32, #tpu.memory_space<vmem_shared>> -> memref<640x128xf32, #tpu.memory_space<vmem_shared>>
      tpu.wait_dma2 semaphore(%run_scoped3A_225 : memref<!tpu.dma_semaphore, #tpu.memory_space<semaphore_mem>>) src(%dma_wait3A_235 : memref<640x128xf32, #tpu.memory_space<vmem_shared>>) dst(%dma_wait3A_233 : memref<640x128xf32, #tpu.memory_space<hbm>>)
      tpu.yield
    }) : () -> ()
    return
  }
}

module attributes {stable_mosaic.version = 14 : i64} {
  func.func @_norm_body(%arg0: memref<2x10240x128xf32, #tpu.memory_space<vmem>>, %arg1: memref<10240x50xf32, #tpu.memory_space<vmem>>) attributes {dimension_semantics = [], scalar_prefetch = 0 : i64, scratch_operands = 0 : i64, tpu.core_type = #tpu.core_type<tc>} {
    %get3A = arith.constant 0 : index
    %get3A_0 = arith.constant 0 : index
    %get3A_1 = arith.constant 0 : index
    %get3A_2 = vector.load %arg0[%get3A, %get3A_0, %get3A_1] : memref<2x10240x128xf32, #tpu.memory_space<vmem>>, vector<1x10240x50xf32>
    %get3A_3 = vector.shape_cast %get3A_2 : vector<1x10240x50xf32> to vector<10240x50xf32>
    %get3A_4 = arith.constant 1 : index
    %get3A_5 = arith.constant 0 : index
    %get3A_6 = arith.constant 0 : index
    %get3A_7 = vector.load %arg0[%get3A_4, %get3A_5, %get3A_6] : memref<2x10240x128xf32, #tpu.memory_space<vmem>>, vector<1x10240x50xf32>
    %get3A_8 = vector.shape_cast %get3A_7 : vector<1x10240x50xf32> to vector<10240x50xf32>
    %add3A = arith.addf %get3A_3, %get3A_8 : vector<10240x50xf32>
    %reduce_max3A = arith.constant dense<0xFF800000> : vector<10240xf32>
    %reduce_max3A_9 = vector.multi_reduction <maximumf>, %add3A, %reduce_max3A [1] : vector<10240x50xf32> to vector<10240xf32>
    %broadcast_in_dim3A = vector.shape_cast %reduce_max3A_9 : vector<10240xf32> to vector<10240x1xf32>
    %sub3A = vector.broadcast %broadcast_in_dim3A : vector<10240x1xf32> to vector<10240x50xf32>
    %sub3A_10 = arith.subf %add3A, %sub3A : vector<10240x50xf32>
    %exp3A = math.exp %sub3A_10 : vector<10240x50xf32>
    %reduce_sum3A = arith.constant dense<0.000000e+00> : vector<10240xf32>
    %reduce_sum3A_11 = vector.multi_reduction <add>, %exp3A, %reduce_sum3A [1] : vector<10240x50xf32> to vector<10240xf32>
    %broadcast_in_dim3A_12 = vector.shape_cast %reduce_sum3A_11 : vector<10240xf32> to vector<10240x1xf32>
    %log3A = math.log %broadcast_in_dim3A_12 : vector<10240x1xf32>
    %add3A_13 = arith.addf %log3A, %broadcast_in_dim3A : vector<10240x1xf32>
    %sub3A_14 = vector.broadcast %add3A_13 : vector<10240x1xf32> to vector<10240x50xf32>
    %sub3A_15 = arith.subf %add3A, %sub3A_14 : vector<10240x50xf32>
    %swap3A = arith.constant 0 : index
    %swap3A_16 = arith.constant 0 : index
    %swap3A_17 = vector.load %arg1[%swap3A, %swap3A_16] : memref<10240x50xf32, #tpu.memory_space<vmem>>, vector<10240x50xf32>
    tpu.vector_store %arg1[%swap3A, %swap3A_16], %sub3A_15 {strides = array<i32>} : memref<10240x50xf32, #tpu.memory_space<vmem>>, vector<10240x50xf32>,
    return
  }
}

</mosaic_0001>

<sc_bundles>
// kernel: kernel.4.cloned.1.call-start
scs
__scs_entry_jumppad:
0x0: {  	(pc) =	sbr.rel $0x88, $3  }
0x1: {  	(tag) =	ssettag $0x0;
	lr =	simm.s32 $0x1  }
0x2: {  	[smem:$0x3F9D] =	sst lr;
	_ =	strace $0xD0000000  }
0x3: {  	_ = 	snop  }
0x4: {  	_ = 	snop  }
0x5: {  	_ = 	snop  }
0x6: {  	_ = 	snop  }
0x7: {  	_ = 	snop  }
__scs_overlays_trampoline_lowered:
0x8: {  	[smem:$0x3FAC] =	sst s0  }
0x9: {  	[smem:$0x3FAD] =	sst s1  }
0xa: {  	[smem:$0x3FAE] =	sst s2  }
0xb: {  	[smem:$0x3FAF] =	sst s3  }
0xc: {  	[smem:$0x3FB0] =	sst s4  }
0xd: {  	[smem:$0x3FB1] =	sst s5  }
0xe: {  	[smem:$0x3FB2] =	sst s6  }
0xf: {  	[smem:$0x3FB3] =	sst s7  }
0x10: {  	[smem:$0x3FB4] =	sst s8  }
0x11: {  	[smem:$0x3FB5] =	sst s9;
	s0 =	simm.s32 @!p0 $0x0  }
0x12: {  	s1 =	sld [smem:$0x3F9B];
	s0 =	simm.s32 @p0 $0x1  }
0x13: {  	[smem:$0x3FB6] =	sst s0;
	s0 =	simm.s32 @!p1 $0x0  }
0x14: {  	s2 =	sld [smem:$0x3F9A];
	s0 =	simm.s32 @p1 $0x1  }
0x15: {  	[smem:$0x3FB7] =	sst s0;
	s0 =	simm.s32 @!p2 $0x0  }
0x16: {  	s3 =	sld [smem:$0x3FDB];
	s0 =	simm.s32 @p2 $0x1  }
0x17: {  	s4 =	simm.s32 $0x1BF5;
	[smem:$0x3FB9] =	sst s0  }
0x18: {  	s0 =	sld [smem:$0x3F9C];
	_ =	swait.ge [sflag:s4], $0x0  }
0x19: {  	s7 =	sld [smem:$0x3F9D]  }
0x1a: {  	s8 =	sadd.s32 $0xFFFFE003, lr  }
0x1b: {  	s9 =	sadd.s32 $0xFFFFFEF7, lr;
	s5 =	simm.s32 $0xFFFFFFFF;
	p2 =	slt.u32 s8, $0xFFFFF086  }
0x1c: {  	p1 =	slt.u32 s9, $0xF7A;
	s5 =	simm.s32 @!p2 $0x0  }
0x1d: {  	s5 =	simm.s32 @p1 $0x1;
	p0 =	seq.s32 s7, s2  }
0x1e: {  	s7 =	smul.u32 @!p0 $0xF7A, s2;
	p2 =	seq.s32 @!p0 s5, $0x0  }
0x1f: {  	s9 =	smul.u32 $0xF7A, s1;
	s8 =	simm.s32 @!p0 $0x1BF5;
	p2 =	por !p2, p0  }
0x20: {  	[sflag:s8] =	ssyncset.s32 @!p0 $0xFFFFF086;
	s6 =	sadd.s32 @!p0 s3, s7;
	s7 =	simm.s32 @!p0 $0x108  }
0x21: {  	s3 =	sadd.s32 s3, s9;
	s6 =	sadd.s32 @!p0 $0x88, s6;
	s7 =	simm.s32 @p2 $0x1082  }
0x22: {  	[simem:s7], [sflag:s8] =	dma.local @!p0 [hbm:s6], $0xF7A  }
0x23: {  	s9 =	sor.u32 $0xD0000000, s2;
	s6 =	simm.s32 $0x108;
	_ =	swait.ge @!p0 [sflag:s8], $0x0  }
0x24: {  	s3 =	sadd.s32 $0x88, s3;
	s6 =	simm.s32 @!p1 $0x1082;
	[sflag:s4] =	ssyncset.s32 $0xFFFFF086  }
0x25: {  	[simem:s6], [sflag:s4] =	dma.local [hbm:s3], $0xF7A  }
0x26: {  	[smem:$0x3F9D] =	sst s1;
	(tag) =	ssettag s2;
	_ =	strace s9  }
0x27: {  	s1 =	sld [smem:$0x3FAD]  }
0x28: {  	s2 =	sld [smem:$0x3FAE]  }
0x29: {  	s4 =	sld [smem:$0x3FB0]  }
0x2a: {  	p0 =	seq.s32 s5, $0x0;
	s5 =	sld [smem:$0x3FB1]  }
0x2b: {  	s6 =	sld [smem:$0x3FB2]  }
0x2c: {  	s7 =	sld [smem:$0x3FB3]  }
0x2d: {  	s3 =	simm.s32 $0x108;
	s8 =	sld [smem:$0x3FB4]  }
0x2e: {  	s3 =	simm.s32 @!p0 $0x1082;
	s9 =	sld [smem:$0x3FB5]  }
0x2f: {  	lr =	sadd.s32 s0, s3;
	s0 =	sld [smem:$0x3FAC]  }
0x30: {  	s3 =	sld [smem:$0x3FAF]  }
0x31: {  	[smem:$0x3FB8] =	sst s10  }
0x32: {  	s10 =	sld [smem:$0x3FB6];
	_ =	sdelay $0x3  }
0x33: {  	p0 =	seq.s32 s10, $0x1;
	s10 =	sld [smem:$0x3FB8];
	_ =	sdelay $0x3  }
0x34: {  	[smem:$0x3FB8] =	sst s10  }
0x35: {  	s10 =	sld [smem:$0x3FB7];
	_ =	sdelay $0x3  }
0x36: {  	p1 =	seq.s32 s10, $0x1;
	s10 =	sld [smem:$0x3FB8];
	_ =	sdelay $0x3  }
0x37: {  	[smem:$0x3FB8] =	sst s10  }
0x38: {  	s10 =	sld [smem:$0x3FB9]  }
0x39: {  	_ = 	snop;
	(pc) =	sbr.ind lr, $3  }
0x3a: {  	_ = 	snop  }
0x3b: {  	_ = 	snop  }
0x3c: {  	p2 =	seq.s32 s10, $0x1;
	s10 =	sld [smem:$0x3FB8]  }
0x3d: {  	_ =	shalt  }
0x3e: {  	_ =	shalt  }
0x3f: {  	_ =	shalt  }
0x40: {  	_ =	shalt  }
0x41: {  	_ =	shalt  }
0x42: {  	_ =	shalt  }
0x43: {  	_ =	shalt  }
0x44: {  	_ =	shalt  }
0x45: {  	_ =	shalt  }
0x46: {  	_ =	shalt  }
0x47: {  	_ =	shalt  }
0x48: {  	_ =	shalt  }
0x49: {  	_ =	shalt  }
0x4a: {  	_ =	shalt  }
0x4b: {  	_ =	shalt  }
0x4c: {  	_ =	shalt  }
0x4d: {  	_ =	shalt  }
0x4e: {  	_ =	shalt  }
0x4f: {  	_ =	shalt  }
0x50: {  	_ =	shalt  }
0x51: {  	_ =	shalt  }
0x52: {  	_ =	shalt  }
0x53: {  	_ =	shalt  }
0x54: {  	_ =	shalt  }
0x55: {  	_ =	shalt  }
0x56: {  	_ =	shalt  }
0x57: {  	_ =	shalt  }
0x58: {  	_ =	shalt  }
0x59: {  	_ =	shalt  }
0x5a: {  	_ =	shalt  }
0x5b: {  	_ =	shalt  }
0x5c: {  	_ =	shalt  }
0x5d: {  	_ =	shalt  }
0x5e: {  	_ =	shalt  }
0x5f: {  	_ =	shalt  }
0x60: {  	_ =	shalt  }
0x61: {  	_ =	shalt  }
0x62: {  	_ =	shalt  }
0x63: {  	_ =	shalt  }
0x64: {  	_ =	shalt  }
0x65: {  	_ =	shalt  }
0x66: {  	_ =	shalt  }
0x67: {  	_ =	shalt  }
0x68: {  	_ =	shalt  }
0x69: {  	_ =	shalt  }
0x6a: {  	_ =	shalt  }
0x6b: {  	_ =	shalt  }
0x6c: {  	_ =	shalt  }
0x6d: {  	_ =	shalt  }
0x6e: {  	_ =	shalt  }
0x6f: {  	_ =	shalt  }
0x70: {  	_ =	shalt  }
0x71: {  	_ =	shalt  }
0x72: {  	_ =	shalt  }
0x73: {  	_ =	shalt  }
0x74: {  	_ =	shalt  }
0x75: {  	_ =	shalt  }
0x76: {  	_ =	shalt  }
0x77: {  	_ =	shalt  }
0x78: {  	_ =	shalt  }
0x79: {  	_ =	shalt  }
0x7a: {  	_ =	shalt  }
0x7b: {  	_ =	shalt  }
0x7c: {  	_ =	shalt  }
0x7d: {  	_ =	shalt  }
0x7e: {  	_ =	shalt  }
0x7f: {  	_ =	shalt  }
0x80: {  	_ =	shalt  }
0x81: {  	_ =	shalt  }
0x82: {  	_ =	shalt  }
0x83: {  	_ =	shalt  }
0x84: {  	_ =	shalt  }
0x85: {  	_ =	shalt  }
0x86: {  	_ =	shalt  }
0x87: {  	_ =	shalt  }
.Lfunc_end0:
.L_simem_size_0:
called_computation_lowered:
.L_overlay_start_0:
0x88: {  	s2 =	sld [smem:$0x3FD9]  }
0x89: {  	s3 =	sld [smem:$0x3FFE];
	_ =	sdelay $0x1  }
0x8a: {  	s1 =	srdreg.scid  }
0x8b: {  	s0 =	sand.u32 $0x1, s1  }
0x8c: {  	s17 =	sshll.u32 s0, $0xA;
	s2 =	sadd.s32 s3, s2  }
0x8d: {  	s2 =	sadd.s32 s2, s17  }
0x8e: {  	[smem:$0x3FC4] =	sst s2  }
0x8f: {  	_ = 	snop  }
0x90: {  	s2 =	sld [smem:$0x3FC7]  }
0x91: {  	s18 =	sld [smem:$0x3FD0];
	(tm) =	ssettm $0x1  }
0x92: {  	s4 =	sld [smem:$0x3FFB];
	_ =	sdelay $0x3  }
0x93: {  	_ =	strace s4  }
0x94: {  	s4 =	sld [smem:$0x3FFC];
	_ =	sdelay $0x3  }
0x95: {  	_ =	strace s4  }
0x96: {  	s4 =	sld [smem:$0x3FFD];
	_ =	sdelay $0x3  }
0x97: {  	_ =	strace s4  }
0x98: {  	_ =	strace $0x8FFFFFFF  }
0x99: {  	s19 =	sld [smem:$0x3FDB];
	_ =	sdelay $0x1  }
0x9a: {  	s5 =	simm.s32 $_scs_section_size  }
0x9b: {  	s6 =	simm.s32 $_size__tile_overlayer_lowered;
	s7 =	simm.s32 $_tile_overlayer_lowered  }
0x9c: {  	s22 =	simm.s32 $0x1BFF;
	s21 =	sshll.u32 s7, $0x1;
	s4 =	sadd.s32 s5, s19  }
0x9d: {  	s8 =	simm.s32 $0x0;
	s20 =	sshll.u32 s6, $0x1;
	s6 =	sadd.s32 s21, s4  }
0x9e: {  	[timem:s8], [sflag:s22] =	dma.local [hbm:s6], s20  }
0x9f: {  	_ =	swait.ge [sflag:s22], s20  }
0xa0: {  	s5 =	ssub.s32 $0x0, s20;
	[sflag:s22] =	ssyncset.done $0x0  }
0xa1: {  	[sflag:s22] =	ssyncadd.s32 s5;
	_ =	sdelay $0x1  }
0xa2: {  	s23 =	simm.s32 $0x1B8B  }
0xa3: {  	_ =	swait.ge [sflag:s23], $0x1  }
0xa4: {  	[sflag:s23] =	ssyncset.done $0x0  }
0xa5: {  	s25 =	simm.s32 $0x1B8E;
	s24 =	sld [smem:$0x3FFE];
	[sflag:s23] =	ssyncadd.s32 $0xFFFFFFFF  }
0xa6: {  	s26 =	simm.s32 $execute0_lowered;
	[smem:$0x3FD2] =	sst s25  }
0xa7: {  	s6 =	sshll.u32 s26, $0x1;
	_ =	strace $0x80000046;
	[dreg:$0x1] =	wrdreg $0xFFFFFFFF  }
0xa8: {  	s28 =	simm.s32 $_size_execute0_lowered;
	s4 =	sadd.s32 s4, s6;
	[dreg:$0x0] =	wrdreg $0x0  }
0xa9: {  	s6 =	sshll.u32 s28, $0x1;
	[dreg:$0x2] =	wrdreg s4  }
0xaa: {  	[dreg:$0x3] =	wrdreg s6  }
0xab: {  	[dreg:$0x4] =	wrdreg $0xC0  }
0xac: {  	_ =	task [dreg:s8], $0x5FFFF  }
0xad: {  	[dreg:$0x1] =	wrdreg $0xFFFFFFFF  }
0xae: {  	[dreg:$0x0] =	wrdreg $0x60  }
0xaf: {  	[dreg:$0x2] =	wrdreg s24  }
0xb0: {  	[dreg:$0x3] =	wrdreg s2  }
0xb1: {  	[dreg:$0x4] =	wrdreg s18  }
0xb2: {  	[dreg:$0x5] =	wrdreg $0x81000  }
0xb3: {  	[dreg:$0x6] =	wrdreg $0x9  }
0xb4: {  	_ =	task.clear_ibuf [dreg:s8], $0x7FFFF;
	_ =	strace $0x90000046  }
0xb5: {  	s29 =	simm.s32 $0x9;
	_ =	strace $0x80000048  }
0xb6: {  	_ =	swait.ge [sflag:s29], $0x1  }
0xb7: {  	[sflag:s29] =	ssyncadd.s32 $0xFFFFFFFF  }
0xb8: {  	_ =	strace $0x90000048  }
0xb9: {  	_ =	sfence  }
0xba: {  	s30 =	sld [smem:$0x0];
	_ =	sdelay $0x2  }
0xbb: {  	s31 =	sshll.u32 s1, $0xD;
	s1 =	sshrl.u32 s1, $0x2  }
0xbc: {  	s3 =	sand.u32 $0x4000, s31;
	s1 =	sadd.s32 s1, s30  }
0xbd: {  	s0 =	sor.u32 s3, s0;
	s1 =	sshll.u32 s1, $0x11  }
0xbe: {  	s0 =	sor.u32 s1, s0  }
0xbf: {  	s0 =	sadd.s32 $0x8F2B, s0  }
0xc0: {  	[sflag:s0] =	ssyncadd.remote.s32 $0x1  }
0xc1: {  	_ =	sfence.sel $0xFFFF  }
0xc2: {  	[dreg:$0x0] =	wrdreg $0xFFFFFFFF;
	(pc) =	sbr.abs _section_cstart, $3  }
0xc3: {  	[dreg:$0x1] =	wrdreg $0xFFFFFFFF  }
0xc4: {  	_ =	task.clear_ibuf [dreg:s8], $0x2FFFF;
	_ =	strace $0x9FFFFFFF  }
0xc5: {  	(tm) =	ssettm $0x7FFFFFFF  }
tec
execute0_lowered:
.L_overlay_start_1:
0x0: {  	(tag) =	ssettag $0x1  }
0x1: {  	s0 =	rddreg [dreg:$0x0]  }
0x2: {  	s1 =	rddreg [dreg:$0x1]  }
0x3: {  	s3 =	rddreg [dreg:$0x3];
	s5 =	simm.s32 $0x0  }
0x4: {  	s2 =	srdreg.scid;
	s12 =	stileid.u32;
	s28 =	simm.s32 $0x8000  }
0x5: {  	s29 =	simm.s32 $0x8080;
	s30 =	simm.s32 $0x4000;
	s31 =	simm.s32 $0x1  }
0x6: {  	[smem:$0x7FF] =	sst s5;
	s2 =	sand.u32 $0x1, s2;
	s4 =	smul.u32 $0x14000, s12  }
0x7: {  	s8 =	sadd.s32 $0x271A00, s0;
	s10 =	sadd.s32 $0xA00, s0;
	s15 =	sadd.s32 $0x30A00, s0  }
0x8: {  	s17 =	sshll.u32 s12, $0x6;
	s25 =	sadd.s32 $0x4E10, s1;
	s6 =	smul.u32 $0x140000, s2  }
0x9: {  	s7 =	sshll.u32 s2, $0x4;
	s9 =	ssub.s32 $0x2, s2;
	s2 =	smul.u32 $0x13800, s2  }
0xa: {  	s16 =	sor.u32 s12, s7;
	s7 =	sor.u32 $0x1C03, s17;
	s17 =	smul.u32 $0x1380, s12  }
0xb: {  	_ =	strace $0x80000047;
	[dreg:$0x8] =	wrdreg s25;
	s11 =	smul.u32 $0x1380, s16  }
0xc: {  	s25 =	sadd.s32 $0x4E2200, s0;
	s14 =	sshrl.u32 s9, $0x1;
	s19 =	smul.u32 $0x13800, s16  }
0xd: {  	[dreg:$0xa] =	wrdreg s25;
	s6 =	sadd.s32 s4, s6;
	s22 =	smul.u32 $0x180, s16  }
0xe: {  	s24 =	ssub.s32 s9, s14;
	s4 =	sadd.s32 s4, s3;
	s26 =	smul.u32 $0x1800, s16  }
0xf: {  	p0 =	seq.s32 s16, $0x0;
	p1 =	sne.s32 s16, $0x1;
	s6 =	sshrl.u32 s6, $0x3  }
0x10: {  	[dreg:$0x5] =	wrdreg s4;
	s2 =	sadd.s32 s17, s2;
	s24 =	smax.u32 s24, $0x1  }
0x11: {  	s20 =	sadd.s32 s6, s0;
	s18 =	sshrl.u32 s11, $0x3;
	s23 =	sadd.s32 s8, s19  }
0x12: {  	s14 =	sadd.s32 $0x80, s22;
	s12 =	sadd.s32 s10, s26;
	s4 =	sadd.s32 $0x100, s22  }
0x13: {  	s6 =	sadd.s32 $0x100, s2;
	s2 =	sadd.s32 $0x80, s2;
	s21 =	sadd.s32 s1, s18  }
0x14: {  	[dreg:$0x7] =	wrdreg s23;
	s18 =	sshrl.u32 s22, $0x3;
	s13 =	sshrl.u32 s14, $0x3  }
0x15: {  	s22 =	sshll.u32 s6, $0x4;
	s23 =	sshll.u32 s2, $0x4;
	s26 =	sshrl.u32 s2, $0x3  }
0x16: {  	[dreg:$0x6] =	wrdreg s21;
	s19 =	sadd.s32 s15, s18;
	s13 =	sadd.s32 s15, s13  }
0x17: {  	s21 =	sshll.u32 s14, $0x4;
	s18 =	sshrl.u32 s4, $0x3;
	s4 =	sshll.u32 s4, $0x4  }
.Ltmp0:
0x18: {  	[dreg:$0x9] =	wrdreg s19;
	s14 =	sadd.s32 s10, s21;
	(pc) =	sbr.rel .LBB2_1-.Ltmp0, $4  }
0x19: {  	s15 =	sadd.s32 s15, s18;
	s17 =	sadd.s32 s10, s4;
	s18 =	sadd.s32 s22, s8  }
0x1a: {  	s19 =	sadd.s32 s23, s8;
	s21 =	sadd.s32 $0x4E00, s1;
	s22 =	sadd.s32 $0x4E1A00, s0  }
0x1b: {  	s23 =	sadd.s32 $0x31000, s20;
	s8 =	sadd.s32 s26, s1;
	s26 =	simm.s32 $0x3  }
0x1c: {  	s0 =	simm.s32 $0x80;
	s4 =	simm.s32 $0x2;
	s10 =	simm.s32 $0x0  }
.LBB2_5:
0x1d: {  	s2 =	rddreg [dreg:$0x8]  }
0x1e: {  	s16 =	rddreg [dreg:$0xa]  }
.LBB2_6:
0x1f: {  	[tilespmem:s28], [sflag:$0x1] =	stream.linear.gather [hbm4b:s2+s5], $0x80, $0x38;
	[tilespmem:$0x1C100] =	vst v63  }
0x20: {  	_ = 	snop  }
0x21: {  	[tilespmem:s5], [sflag:$0x1] =	stream.linear.gather [hbm4b:s16+s5], $0x4000, $0x38;
	[tilespmem:$0x1C100] =	vst v63  }
0x22: {  	_ =	swait.ge [sflag:s31], $0x80  }
0x23: {  	[sflag:s31] =	ssyncset.done $0x0  }
0x24: {  	[sflag:s31] =	ssyncadd.s32 $0xFFFFFF80  }
0x25: {  	_ =	swait.ge [sflag:s31], $0x4000  }
0x26: {  	[sflag:s31] =	ssyncset.done $0x0  }
0x27: {  	[sflag:s31] =	ssyncadd.s32 $0xFFFFC000  }
0x28: {  	[spmem:s3] =	stream.indirect.scatter.add.f32 [tilespmem:s5], [sflag:$0x3], $0x80, s28, s0, $0xb8;
	[tilespmem:$0x1C100] =	vst v63  }
0x29: {  	_ =	swait.ge [sflag:s26], $0x4000  }
0x2a: {  	[sflag:s26] =	ssyncset.done $0x0  }
0x2b: {  	[sflag:s26] =	ssyncadd.s32 $0xFFFFC000  }
.LBB2_7:
0x2c: {  	s2 =	rddreg [dreg:$0x9]  }
0x2d: {  	[tilespmem:s28], [sflag:$0x1] =	stream.linear.gather [hbm4b:s2+s5], $0x80, $0x38;
	[tilespmem:$0x1C100] =	vst v63  }
0x2e: {  	_ = 	snop  }
0x2f: {  	[tilespmem:s5], [sflag:$0x1] =	stream.linear.gather [hbm4b:s12+s5], $0x4000, $0x38;
	[tilespmem:$0x1C100] =	vst v63  }
0x30: {  	_ = 	snop  }
0x31: {  	[tilespmem:s29], [sflag:$0x2] =	stream.linear.gather [hbm4b:s13+s5], $0x80, $0x38;
	[tilespmem:$0x1C100] =	vst v63  }
0x32: {  	_ = 	snop  }
0x33: {  	[tilespmem:s30], [sflag:$0x2] =	stream.linear.gather [hbm4b:s14+s5], $0x4000, $0x38;
	[tilespmem:$0x1C100] =	vst v63  }
0x34: {  	_ =	swait.ge [sflag:s31], $0x80  }
0x35: {  	[sflag:s31] =	ssyncset.done $0x0  }
0x36: {  	[sflag:s31] =	ssyncadd.s32 $0xFFFFFF80  }
0x37: {  	_ =	swait.ge [sflag:s31], $0x4000  }
0x38: {  	[sflag:s31] =	ssyncset.done $0x0  }
0x39: {  	[sflag:s31] =	ssyncadd.s32 $0xFFFFC000  }
0x3a: {  	[spmem:s3] =	stream.indirect.scatter.add.f32 [tilespmem:s5], [sflag:$0x3], $0x80, s28, s0, $0xb8;
	[tilespmem:$0x1C100] =	vst v63  }
0x3b: {  	_ =	swait.ge [sflag:s26], $0x4000  }
0x3c: {  	[sflag:s26] =	ssyncset.done $0x0  }
0x3d: {  	[sflag:s26] =	ssyncadd.s32 $0xFFFFC000  }
0x3e: {  	[tilespmem:s28], [sflag:$0x1] =	stream.linear.gather [hbm4b:s15+s5], $0x80, $0x38;
	[tilespmem:$0x1C100] =	vst v63  }
0x3f: {  	_ = 	snop  }
0x40: {  	[tilespmem:s5], [sflag:$0x1] =	stream.linear.gather [hbm4b:s17+s5], $0x4000, $0x38;
	[tilespmem:$0x1C100] =	vst v63  }
0x41: {  	_ =	swait.ge [sflag:s4], $0x80  }
0x42: {  	[sflag:s4] =	ssyncset.done $0x0  }
0x43: {  	[sflag:s4] =	ssyncadd.s32 $0xFFFFFF80  }
0x44: {  	_ =	swait.ge [sflag:s4], $0x4000  }
0x45: {  	[sflag:s4] =	ssyncset.done $0x0  }
0x46: {  	[sflag:s4] =	ssyncadd.s32 $0xFFFFC000  }
0x47: {  	[spmem:s3] =	stream.indirect.scatter.add.f32 [tilespmem:s30], [sflag:$0x3], $0x80, s29, s0, $0xb8;
	[tilespmem:$0x1C100] =	vst v63  }
0x48: {  	_ =	swait.ge [sflag:s26], $0x4000  }
0x49: {  	[sflag:s26] =	ssyncset.done $0x0  }
0x4a: {  	[sflag:s26] =	ssyncadd.s32 $0xFFFFC000  }
0x4b: {  	_ =	swait.ge [sflag:s31], $0x80  }
0x4c: {  	[sflag:s31] =	ssyncset.done $0x0  }
0x4d: {  	[sflag:s31] =	ssyncadd.s32 $0xFFFFFF80  }
0x4e: {  	_ =	swait.ge [sflag:s31], $0x4000  }
0x4f: {  	[sflag:s31] =	ssyncset.done $0x0  }
0x50: {  	[sflag:s31] =	ssyncadd.s32 $0xFFFFC000  }
0x51: {  	[spmem:s3] =	stream.indirect.scatter.add.f32 [tilespmem:s5], [sflag:$0x3], $0x80, s28, s0, $0xb8;
	[tilespmem:$0x1C100] =	vst v63  }
0x52: {  	_ =	swait.ge [sflag:s26], $0x4000  }
0x53: {  	s10 =	sadd.s32 $0x1, s10;
	[sflag:s26] =	ssyncset.done $0x0  }
0x54: {  	p2 =	sne.s32 s10, s24;
	[sflag:s26] =	ssyncadd.s32 $0xFFFFC000  }
.Ltmp1:
0x55: {  	[bflag:$0x0] =	sbarrier.arrive $0xFFFF;
	(pc) =	sbr.rel @!p2 .LBB2_8-.Ltmp1, $4  }
0x56: {  	[hbm:s23], [sflag:s7] =	dma.local [spmem:s20], $0x2800  }
0x57: {  	_ =	swait.ge [sflag:s26], $0x2800  }
0x58: {  	[sflag:s26] =	ssyncset.done $0x0  }
0x59: {  	[sflag:s26] =	ssyncadd.s32 $0xFFFFD800  }
.LBB2_1:
0x5a: {  	s2 =	rddreg [dreg:$0x5]  }
0x5b: {  	s16 =	rddreg [dreg:$0x2];
	s20 =	sshrl.u32 s2, $0x3  }
0x5c: {  	[spmem:s20], [sflag:s7] =	dma.local [hbm:s16], $0x2800  }
0x5d: {  	_ =	swait.ge [sflag:s26], $0x2800  }
0x5e: {  	[sflag:s26] =	ssyncset.done $0x0  }
0x5f: {  	[sflag:s26] =	ssyncadd.s32 $0xFFFFD800  }
0x60: {  	[bflag:$0x0] =	sbarrier.arrive $0xFFFF  }
0x61: {  	s25 =	rddreg [dreg:$0x6]  }
0x62: {  	[tilespmem:s28], [sflag:$0x1] =	stream.linear.gather [hbm4b:s25+s5], $0x80, $0x38;
	[tilespmem:$0x1C100] =	vst v63  }
0x63: {  	s9 =	rddreg [dreg:$0x7]  }
0x64: {  	[tilespmem:s5], [sflag:$0x1] =	stream.linear.gather [hbm4b:s9+s5], $0x4000, $0x38;
	[tilespmem:$0x1C100] =	vst v63  }
0x65: {  	_ = 	snop  }
0x66: {  	[tilespmem:s29], [sflag:$0x2] =	stream.linear.gather [hbm4b:s8+s5], $0x80, $0x38;
	[tilespmem:$0x1C100] =	vst v63  }
0x67: {  	s11 =	sadd.s32 $0x0, s19  }
0x68: {  	[tilespmem:s30], [sflag:$0x2] =	stream.linear.gather [hbm4b:s11+s5], $0x4000, $0x38;
	[tilespmem:$0x1C100] =	vst v63  }
0x69: {  	_ =	swait.ge [sflag:s31], $0x80  }
0x6a: {  	[sflag:s31] =	ssyncset.done $0x0  }
0x6b: {  	[sflag:s31] =	ssyncadd.s32 $0xFFFFFF80  }
0x6c: {  	_ =	swait.ge [sflag:s31], $0x4000  }
0x6d: {  	[sflag:s31] =	ssyncset.done $0x0  }
0x6e: {  	[sflag:s31] =	ssyncadd.s32 $0xFFFFC000  }
0x6f: {  	[spmem:s3] =	stream.indirect.scatter.add.f32 [tilespmem:s5], [sflag:$0x3], $0x80, s28, s0, $0xb8;
	[tilespmem:$0x1C100] =	vst v63  }
0x70: {  	_ =	swait.ge [sflag:s26], $0x4000  }
0x71: {  	s16 =	sshrl.u32 s6, $0x3;
	[sflag:s26] =	ssyncset.done $0x0  }
0x72: {  	s2 =	sadd.s32 s1, s16;
	[sflag:s26] =	ssyncadd.s32 $0xFFFFC000  }
0x73: {  	[tilespmem:s28], [sflag:$0x1] =	stream.linear.gather [hbm4b:s2+s5], $0x80, $0x38;
	[tilespmem:$0x1C100] =	vst v63  }
0x74: {  	s25 =	sadd.s32 $0x0, s18  }
0x75: {  	[tilespmem:s5], [sflag:$0x1] =	stream.linear.gather [hbm4b:s25+s5], $0x4000, $0x38;
	[tilespmem:$0x1C100] =	vst v63  }
0x76: {  	_ =	swait.ge [sflag:s4], $0x80  }
0x77: {  	[sflag:s4] =	ssyncset.done $0x0  }
0x78: {  	[sflag:s4] =	ssyncadd.s32 $0xFFFFFF80  }
0x79: {  	_ =	swait.ge [sflag:s4], $0x4000  }
0x7a: {  	[sflag:s4] =	ssyncset.done $0x0  }
0x7b: {  	[sflag:s4] =	ssyncadd.s32 $0xFFFFC000  }
0x7c: {  	[spmem:s3] =	stream.indirect.scatter.add.f32 [tilespmem:s30], [sflag:$0x3], $0x80, s29, s0, $0xb8;
	[tilespmem:$0x1C100] =	vst v63  }
0x7d: {  	s16 =	smov.u32 s6;
	_ =	swait.ge [sflag:s26], $0x4000  }
0x7e: {  	s2 =	simm.s32 $0x1000;
	s25 =	smov.u32 s8;
	[sflag:s26] =	ssyncset.done $0x0  }
.LBB2_2:
0x7f: {  	[sflag:s26] =	ssyncadd.s32 $0xFFFFC000  }
0x80: {  	s16 =	sadd.s32 $0x100, s16;
	s25 =	sadd.s32 $0x20, s25;
	s9 =	smov.u32 s2  }
0x81: {  	[tilespmem:s29], [sflag:$0x2] =	stream.linear.gather [hbm4b:s25+s5], $0x80, $0x38;
	[tilespmem:$0x1C100] =	vst v63  }
0x82: {  	p2 =	sne.s32 s2, $0x12000;
	s2 =	sadd.s32 $0x1000, s2;
	s11 =	sadd.s32 s9, s19  }
0x83: {  	[tilespmem:s30], [sflag:$0x2] =	stream.linear.gather [hbm4b:s11+s5], $0x4000, $0x38;
	[tilespmem:$0x1C100] =	vst v63  }
0x84: {  	_ =	swait.ge [sflag:s31], $0x80  }
0x85: {  	[sflag:s31] =	ssyncset.done $0x0  }
0x86: {  	[sflag:s31] =	ssyncadd.s32 $0xFFFFFF80  }
0x87: {  	_ =	swait.ge [sflag:s31], $0x4000  }
0x88: {  	[sflag:s31] =	ssyncset.done $0x0  }
0x89: {  	[sflag:s31] =	ssyncadd.s32 $0xFFFFC000  }
0x8a: {  	[spmem:s3] =	stream.indirect.scatter.add.f32 [tilespmem:s5], [sflag:$0x3], $0x80, s28, s0, $0xb8;
	[tilespmem:$0x1C100] =	vst v63  }
0x8b: {  	_ =	swait.ge [sflag:s26], $0x4000  }
0x8c: {  	s11 =	sshrl.u32 s16, $0x3;
	[sflag:s26] =	ssyncset.done $0x0  }
0x8d: {  	s11 =	sadd.s32 s1, s11;
	[sflag:s26] =	ssyncadd.s32 $0xFFFFC000  }
0x8e: {  	[tilespmem:s28], [sflag:$0x1] =	stream.linear.gather [hbm4b:s11+s5], $0x80, $0x38;
	[tilespmem:$0x1C100] =	vst v63  }
0x8f: {  	s9 =	sadd.s32 s9, s18  }
0x90: {  	[tilespmem:s5], [sflag:$0x1] =	stream.linear.gather [hbm4b:s9+s5], $0x4000, $0x38;
	[tilespmem:$0x1C100] =	vst v63  }
0x91: {  	_ =	swait.ge [sflag:s4], $0x80  }
0x92: {  	[sflag:s4] =	ssyncset.done $0x0  }
0x93: {  	[sflag:s4] =	ssyncadd.s32 $0xFFFFFF80  }
0x94: {  	_ =	swait.ge [sflag:s4], $0x4000  }
.Ltmp2:
0x95: {  	[sflag:s4] =	ssyncset.done $0x0;
	(pc) =	sbr.rel @p2 .LBB2_2-.Ltmp2, $4  }
0x96: {  	[sflag:s4] =	ssyncadd.s32 $0xFFFFC000  }
0x97: {  	[spmem:s3] =	stream.indirect.scatter.add.f32 [tilespmem:s30], [sflag:$0x3], $0x80, s29, s0, $0xb8;
	[tilespmem:$0x1C100] =	vst v63  }
0x98: {  	_ =	swait.ge [sflag:s26], $0x4000  }
0x99: {  	[sflag:s26] =	ssyncset.done $0x0  }
0x9a: {  	[sflag:s26] =	ssyncadd.s32 $0xFFFFC000  }
0x9b: {  	_ =	swait.ge [sflag:s31], $0x80  }
0x9c: {  	[sflag:s31] =	ssyncset.done $0x0  }
0x9d: {  	[sflag:s31] =	ssyncadd.s32 $0xFFFFFF80  }
0x9e: {  	_ =	swait.ge [sflag:s31], $0x4000  }
0x9f: {  	[sflag:s31] =	ssyncset.done $0x0  }
.Ltmp3:
0xa0: {  	[sflag:s31] =	ssyncadd.s32 $0xFFFFC000;
	(pc) =	sbr.rel @p0 .LBB2_6-.Ltmp3, $4  }
0xa1: {  	[spmem:s3] =	stream.indirect.scatter.add.f32 [tilespmem:s5], [sflag:$0x3], $0x80, s28, s0, $0xb8;
	[tilespmem:$0x1C100] =	vst v63  }
0xa2: {  	_ =	swait.ge [sflag:s26], $0x4000  }
0xa3: {  	[sflag:s26] =	ssyncset.done $0x0  }
0xa4: {  	s2 =	smov.u32 s21;
	s16 =	smov.u32 s22;
	[sflag:s26] =	ssyncadd.s32 $0xFFFFC000  }
.Ltmp4:
0xa5: {  	(pc) =	sbr.rel @!p1 .LBB2_5-.Ltmp4, $4  }
.Ltmp5:
0xa6: {  	(pc) =	sbr.rel @p1 .LBB2_7-.Ltmp5, $4  }
0xa7: {  	_ = 	snop  }
0xa8: {  	_ = 	snop  }
0xa9: {  	_ = 	snop  }
0xaa: {  	_ = 	snop  }
.LBB2_8:
0xab: {  	_ =	sfence.sel $0x180000  }
0xac: {  	[bflag:$0x0] =	sbarrier.arrive $0xFFFF  }
0xad: {  	_ =	strace $0x90000047  }
0xae: {  	s0 =	stileid.u32;
	[bflag:$0x2] =	sbarrier.arrive $0xFFFF  }
0xaf: {  	p0 =	sne.s32 s0, $0x0;
	s0 =	rddreg [dreg:$0x4]  }
0xb0: {  	s0 =	sadd.s32 @!p0 $0x100000, s0  }
0xb1: {  	[sflag:s0] =	ssyncadd.tile.s32 @!p0 $0x1;
	_ =	shalt  }
.Lfunc_end2:
_tile_overlayer_lowered:
.L_overlay_start_2:
0xb2: {  	(tag) =	ssettag $0x2  }
0xb3: {  	s0 =	rddreg [dreg:$0x0];
	s2 =	stileid.u32  }
0xb4: {  	s1 =	rddreg [dreg:$0x1];
	p0 =	sne.s32 s2, $0x0  }
0xb5: {  	s3 =	rddreg [dreg:$0x2];
	[bflag:$0x3] =	sbarrier.arrive $0xFFFF;
	s2 =	simm.s32 @!p0 $0x1C03  }
0xb6: {  	[timem:s3], [sflag:s2] =	dma.local @!p0 [hbm:s0], s1  }
0xb7: {  	s0 =	simm.s32 @!p0 $0x3  }
0xb8: {  	_ =	swait.ge @!p0 [sflag:s0], s1  }
0xb9: {  	s1 =	ssub.s32 @!p0 $0x0, s1;
	[sflag:s0] =	ssyncset.done @!p0 $0x0  }
0xba: {  	[sflag:s0] =	ssyncadd.s32 @!p0 s1  }
0xbb: {  	[bflag:$0x3] =	sbarrier.arrive $0xFFFF  }
0xbc: {  	_ =	shalt  }

</sc_bundles>
